<compile_context>
chip_gen: v7x
topology: tpu7x:2x2x1
jax: 0.10.2.dev20260603
libtpu: 0.0.44.dev20260713+nightly
codegen_flags: <defaults>
</compile_context>

<pallas_src>
import functools

import jax
import jax.numpy as jnp
from jax import lax
from jax.experimental import pallas as pl
from jax.experimental.pallas import tpu as pltpu
from jax.experimental.pallas import tpu_sc as plsc

_B, _T, _C = 4, 2048, 1024
_G, _V = 2, 320
_VP = 384
_NEG = -1e30
_N = _B * _T
_VD = 256
_TB = 1024
_NBLK_A = 6
_NBLK_B = _N // _TB - _NBLK_A
_NSL_A = _NBLK_A * _TB
_NSL_B = _NBLK_B * _TB

_NC, _NS = 2, 16
_NW = _NC * _NS
_CB = 128


def _tc_body(nblk, last, *refs):
    if last:
        (x_ref, w_ref, ssb_ref, a0, a1, a2, a3, a4, a5,
         idx0_ref, idx1_ref, o0, o1, o2, o3, o4, o5,
         lent_ref, cperp_ref, pperp_ref,
         wsc, ssc, sbsc, probs0, probs1, cnt0, cnt1, cs0, cs1) = refs
        acc_in = (a0, a1, a2, a3, a4, a5)
    else:
        (x_ref, w_ref, ssb_ref,
         idx0_ref, idx1_ref, o0, o1, o2, o3, o4, o5,
         wsc, ssc, sbsc, probs0, probs1, cnt0, cnt1, cs0, cs1) = refs
        acc_in = None
    acc_out = (o0, o1, o2, o3, o4, o5)
    scratch = (probs0, probs1, cnt0, cnt1, cs0, cs1)
    i = pl.program_id(0)

    @pl.when(i == 0)
    def _init():
        if acc_in is None:
            for r in scratch:
                r[...] = jnp.zeros_like(r)
        else:
            for r, src in zip(scratch, acc_in):
                r[...] = src[...]
        wsc[0:_V, :] = w_ref[0:_V, :]
        wsc[_V:_VP, :] = jnp.zeros((_VP - _V, _C), jnp.float32)
        wsc[_VP:_VP + _V, :] = w_ref[_V:2 * _V, :]
        wsc[_VP + _V:2 * _VP, :] = jnp.zeros((_VP - _V, _C), jnp.float32)
        real = lax.broadcasted_iota(jnp.int32, (_G, _VP), 1) < _V
        scv = jnp.where(real, ssb_ref[0:_G, :], 0.0)
        bv = ssb_ref[_G:2 * _G, :]
        avg = jnp.sum(scv) * jnp.float32(1.0 / (_G * _V))
        scale = 1.0 + 10.0 * (scv - avg)
        ssc[...] = jnp.where(real, scale, 1.0)
        sbsc[...] = jnp.where(real, bv * scale, _NEG)

    xb = x_ref[...]
    rawp = lax.dot_general(xb, wsc[...], (((1,), (1,)), ((), ())),
                           preferred_element_type=jnp.float32)
    for g, idx_ref, pa, ca, sa in (
            (0, idx0_ref, probs0, cnt0, cs0),
            (1, idx1_ref, probs1, cnt1, cs1)):
        raw = rawp[:, g * _VP:(g + 1) * _VP]
        lg = raw * ssc[g, :][None, :] + sbsc[g, :][None, :]
        m = jnp.max(lg, axis=1, keepdims=True)
        e = jnp.exp(lg - m)
        p = e / jnp.sum(e, axis=1, keepdims=True)
        pa[...] += jnp.sum(p, axis=0, keepdims=True)
        k = jnp.argmax(lg, axis=1).astype(jnp.int32)
        idx_ref[...] = k
        oh = (lax.broadcasted_iota(jnp.int32, (_TB, _VP), 1)
              == k[:, None]).astype(jnp.float32)
        ca[...] += jnp.sum(oh, axis=0, keepdims=True)
        sa[...] += jnp.sum(lg, axis=0, keepdims=True)

    @pl.when(i == nblk - 1)
    def _emit():
        for r, dst in zip(scratch, acc_out):
            dst[...] = r[...]

    if last:
        @pl.when(i == nblk - 1)
        def _finish():
            invn = jnp.float32(1.0 / _N)
            pperp = jnp.float32(0.0)
            cperp = jnp.float32(0.0)
            for pa, ca in ((probs0, cnt0), (probs1, cnt1)):
                ap = pa[...] * invn
                pperp += jnp.exp(-jnp.sum(ap * jnp.log(ap + 1e-7)))
                hp = ca[...] * invn
                cperp += jnp.exp(-jnp.sum(hp * jnp.log(hp + 1e-7)))
            x0 = cs0[...] * invn
            x1 = cs1[...] * invn
            m2 = jnp.maximum(jnp.max(x0), jnp.max(x1))
            e0 = jnp.exp(x0 - m2)
            e1 = jnp.exp(x1 - m2)
            z = jnp.sum(e0) + jnp.sum(e1)
            logz = jnp.log(z)
            lent = (jnp.sum(e0 * ((x0 - m2) - logz))
                    + jnp.sum(e1 * ((x1 - m2) - logz))) / z
            lent_ref[0, 0] = lent
            cperp_ref[0, 0] = cperp
            pperp_ref[0, 0] = pperp


def _tc_stats(x2d, w, ssb, accs, base, nblk, last):
    acc_sds = jax.ShapeDtypeStruct((1, _VP), jnp.float32)
    out_shape = [jax.ShapeDtypeStruct((nblk * _TB,), jnp.int32)] * 2 \
        + [acc_sds] * 6
    out_specs = [pl.BlockSpec((_TB,), lambda i: (i,))] * 2 + \
                [pl.BlockSpec((1, _VP), lambda i: (0, 0))] * 6
    in_specs = [
        pl.BlockSpec((_TB, _C), lambda i: (i + base, 0)),
        pl.BlockSpec((_G * _V, _C), lambda i: (0, 0)),
        pl.BlockSpec((2 * _G, _VP), lambda i: (0, 0)),
    ]
    if last:
        out_shape += [jax.ShapeDtypeStruct((1, 1), jnp.float32)] * 3
        out_specs += [pl.BlockSpec(memory_space=pltpu.SMEM)] * 3
        in_specs += [pl.BlockSpec((1, _VP), lambda i: (0, 0))] * 6
    return pl.pallas_call(
        functools.partial(_tc_body, nblk, last),
        grid=(nblk,),
        in_specs=in_specs,
        out_specs=out_specs,
        out_shape=out_shape,
        scratch_shapes=[pltpu.VMEM((_G * _VP, _C), jnp.float32),
                        pltpu.VMEM((_G, _VP), jnp.float32),
                        pltpu.VMEM((_G, _VP), jnp.float32)]
        + [pltpu.VMEM((1, _VP), jnp.float32) for _ in range(6)],
        compiler_params=pltpu.CompilerParams(
            dimension_semantics=("arbitrary",)),
    )(x2d, w, ssb, *accs)


def _sc_body(base_tok, tpw, chunks, tableg_hbm, k0_hbm, k1_hbm, out_hbm,
             kv, buf0, buf1, gs0, gs1, ss0, ss1):
    wid = lax.axis_index("s") * _NC + lax.axis_index("c")
    g = wid & 1
    blk = wid >> 1
    col0 = g * _VD
    tok0 = base_tok + blk * tpw

    @pl.when(g == 0)
    def _load0():
        pltpu.sync_copy(k0_hbm.at[pl.ds(blk * tpw, tpw)], kv)

    @pl.when(g == 1)
    def _load1():
        pltpu.sync_copy(k1_hbm.at[pl.ds(blk * tpw, tpw)], kv)

    tab = tableg_hbm.at[g]
    bufs = (buf0, buf1)
    gsems = (gs0, gs1)
    ssems = (ss0, ss1)
    gh = [None, None]
    sh = [None, None]
    gh[0] = pltpu.async_copy(tab.at[kv.at[pl.ds(0, _CB)]], buf0, gs0)
    for c in range(chunks):
        n = c + 1
        if n < chunks:
            if sh[n % 2] is not None:
                sh[n % 2].wait()
            gh[n % 2] = pltpu.async_copy(
                tab.at[kv.at[pl.ds(n * _CB, _CB)]], bufs[n % 2],
                gsems[n % 2])
        gh[c % 2].wait()
        sh[c % 2] = pltpu.async_copy(
            bufs[c % 2],
            out_hbm.at[pl.ds(tok0 + c * _CB, _CB), pl.ds(col0, _VD)],
            ssems[c % 2])
    for c in range(max(0, chunks - 2), chunks):
        sh[c % 2].wait()


def _sc_gather(tableg, k0, k1, qref, base_tok, tpw):
    chunks = tpw // _CB
    mesh = plsc.VectorSubcoreMesh(core_axis_name="c", subcore_axis_name="s")
    out_type = () if qref is not None else jax.ShapeDtypeStruct(
        (_N, _G * _VD), jnp.float32)
    run = functools.partial(
        pl.kernel,
        mesh=mesh,
        out_type=out_type,
        scratch_types=[
            pltpu.VMEM((tpw,), jnp.int32),
            pltpu.VMEM((_CB, _VD), jnp.float32),
            pltpu.VMEM((_CB, _VD), jnp.float32),
            pltpu.SemaphoreType.DMA,
            pltpu.SemaphoreType.DMA,
            pltpu.SemaphoreType.DMA,
            pltpu.SemaphoreType.DMA,
        ],
    )(functools.partial(_sc_body, base_tok, tpw, chunks))
    if qref is None:
        return run(tableg, k0, k1)
    run(tableg, k0, k1, qref)


def kernel(x, W, b, vars_p, scaling):
    ssb = jnp.concatenate(
        [scaling.reshape(_G, _V), b.reshape(_G, _V)])

    x2d = x.reshape(_N, _C)
    tableg = vars_p.reshape(_G, _V, _VD)

    k0a, k1a, *accs_a = _tc_stats(x2d, W, ssb, [], 0, _NBLK_A, False)
    out_a = _sc_gather(tableg, k0a, k1a, None, 0, _NSL_A // (_NW // 2))
    qref = jax.new_ref(out_a)

    out_b = _tc_stats(x2d, W, ssb, accs_a, _NBLK_A, _NBLK_B, True)
    k0b, k1b = out_b[0], out_b[1]
    lent, cperp, pperp = out_b[8], out_b[9], out_b[10]
    _sc_gather(tableg, k0b, k1b, qref, _NSL_A, _NSL_B // (_NW // 2))

    q = qref[...].reshape(_B, _T, _G * _VD)
    return (q, lent.reshape(()), cperp.reshape(()), pperp.reshape(()))

# --- scband reference (transcript-rebuilt; emitter-appended) ---
"""Pipeline reference for scband-gumbel-vector-quantizer-51187420234439 (READ-ONLY COPY).

The authoritative reference and input builder live on the scoring server;
editing this copy changes nothing except your own understanding.
"""

import jax, jax.numpy as jnp
import numpy as np

B, T, C = 4, 2048, 1024
GROUPS, NUM_VARS = 2, 320
VQ_DIM = 512
VAR_DIM = VQ_DIM // GROUPS
ODIM = GROUPS * NUM_VARS


def setup_inputs(seed: int = 0) -> dict:
    key = jax.random.key(seed)
    k1, k2, k3 = jax.random.split(key, 3)
    x = jax.random.normal(k1, (B, T, C), dtype=jnp.float32)
    # weight_proj: Linear(dim, groups*num_vars), weight init normal(0,1), bias zeros
    W = jax.random.normal(k2, (ODIM, C), dtype=jnp.float32)
    b = jnp.zeros((ODIM,), dtype=jnp.float32)
    # self.vars: [1, num_groups*num_vars, var_dim], uniform init (std==0)
    vars_p = jax.random.uniform(k3, (1, ODIM, VAR_DIM), dtype=jnp.float32)
    # scaling_factor_for_vector: zeros [groups*num_vars]
    scaling = jnp.zeros((ODIM,), dtype=jnp.float32)
    return {"x": x, "W": W, "b": b, "vars_p": vars_p, "scaling": scaling}


def reference(x, W, b, vars_p, scaling):
    bsz, tsz, fsz = x.shape
    xf = x.reshape(-1, fsz)
    logits = xf @ W.T + b  # [N, ODIM]
    avg = scaling.mean()
    # matmul with (I + accel*(scaling - avg).detach()*I) == elementwise diagonal scale
    scale_detached = 1.0 + 10.0 * jax.lax.stop_gradient(scaling - avg)
    xl = logits * scale_detached
    # x2 branch: logits detached, scaling live
    scale_live = 1.0 + 10.0 * (scaling - avg)
    x2 = jax.lax.stop_gradient(logits) * scale_live
    x2 = x2.mean(axis=0)
    loss_ent_max = jnp.sum(jax.nn.softmax(x2, axis=-1) * jax.nn.log_softmax(x2, axis=-1))
    xg = xl.reshape(bsz * tsz * GROUPS, -1)  # [N*G, V]
    k = jnp.argmax(xg, axis=-1)
    hard_x = jax.nn.one_hot(k, NUM_VARS, dtype=xg.dtype).reshape(bsz * tsz, GROUPS, -1)
    hard_x = jax.lax.stop_gradient(hard_x)
    hard_probs = jnp.mean(hard_x.astype(jnp.float32), axis=0)
    code_perplexity = jnp.exp(-jnp.sum(hard_probs * jnp.log(hard_probs + 1e-07), axis=-1)).sum()
    avg_probs = jax.nn.softmax(xg.reshape(bsz * tsz, GROUPS, -1).astype(jnp.float32), axis=-1).mean(axis=0)
    prob_perplexity = jnp.exp(-jnp.sum(avg_probs * jnp.log(avg_probs + 1e-07), axis=-1)).sum()
    # eval path (self.training == False): x = hard_x
    xh = hard_x.reshape(bsz * tsz, -1)  # [N, ODIM]
    q = xh[:, :, None] * vars_p  # [N, ODIM, VAR_DIM]
    q = q.reshape(bsz * tsz, GROUPS, NUM_VARS, -1)
    q = q.sum(axis=-2)  # [N, GROUPS, VAR_DIM]
    q = q.reshape(bsz, tsz, -1)  # [B, T, VQ_DIM]
    return (q, loss_ent_max, code_perplexity, prob_perplexity)

if __name__ == "__main__":
    import jax
    _d = setup_inputs()
    print(jax.jit(kernel)(*tuple(_d.values())))

</pallas_src>

<mosaic_0001>
#map = affine_map<(d0, d1) -> (0, 0, 0)>
#map1 = affine_map<(d0, d1) -> (0)>
#map2 = affine_map<(d0, d1) -> (0, 0)>
module attributes {stable_mosaic.version = 14 : i64} {
  func.func @_sc_body(%arg0: i32, %arg1: i32, %arg2: memref<2x320x256xf32, #tpu.memory_space<hbm>>, %arg3: memref<6144xi32, #tpu.memory_space<hbm>>, %arg4: memref<6144xi32, #tpu.memory_space<hbm>>, %arg5: memref<8192x512xf32, #tpu.memory_space<hbm>>, %arg6: memref<384xi32, #tpu.memory_space<vmem>>, %arg7: memref<128x256xf32, #tpu.memory_space<vmem>>, %arg8: memref<128x256xf32, #tpu.memory_space<vmem>>, %arg9: memref<!tpu.dma_semaphore, #tpu.memory_space<semaphore_mem>>, %arg10: memref<!tpu.dma_semaphore, #tpu.memory_space<semaphore_mem>>, %arg11: memref<!tpu.dma_semaphore, #tpu.memory_space<semaphore_mem>>, %arg12: memref<!tpu.dma_semaphore, #tpu.memory_space<semaphore_mem>>) attributes {dimension_semantics = [#tpu.dimension_semantics<core_parallel>, #tpu.dimension_semantics<subcore_parallel>], iteration_bounds = array<i64: 2, 16>, scalar_prefetch = 0 : i64, scratch_operands = 7 : i64, tpu.core_type = #tpu.core_type<sc_vector_subcore>, window_params = [{transform_indices = #map}, {transform_indices = #map1}, {transform_indices = #map1}, {transform_indices = #map2}]} {
    %mul3A = arith.constant 2 : i32
    %mul3A_0 = arith.muli %arg1, %mul3A : i32
    %add3A = arith.addi %mul3A_0, %arg0 : i32
    %and3A = arith.constant 1 : i32
    %and3A_1 = arith.andi %add3A, %and3A : i32
    %shift_right_arithmetic3A = arith.constant 1 : i32
    %shift_right_arithmetic3A_2 = arith.shrsi %add3A, %shift_right_arithmetic3A : i32
    %mul3A_3 = arith.constant 256 : i32
    %mul3A_4 = arith.muli %and3A_1, %mul3A_3 : i32
    %mul3A_5 = arith.constant 384 : i32
    %mul3A_6 = arith.muli %shift_right_arithmetic3A_2, %mul3A_5 : i32
    %add3A_7 = arith.constant 0 : i32
    %add3A_8 = arith.addi %add3A_7, %mul3A_6 : i32
    %eq3A = arith.constant 0 : i32
    %eq3A_9 = arith.cmpi eq, %and3A_1, %eq3A : i32
    %convert_element_type3A = arith.extui %eq3A_9 : i1 to i32
    %cond3A = arith.constant 0 : i32
    %cond3A_10 = arith.cmpi ne, %convert_element_type3A, %cond3A : i32
    scf.if %cond3A_10 {
      %mul3A_86 = arith.constant 384 : i32
      %mul3A_87 = arith.muli %shift_right_arithmetic3A_2, %mul3A_86 : i32
      "tpu.region"() ({
        %run_scoped3A = tpu.sem_alloc : memref<!tpu.dma_semaphore, #tpu.memory_space<semaphore_mem>>
        %dma_start3A_88 = tpu.memref_slice %arg3[%mul3A_87] : memref<6144xi32, #tpu.memory_space<hbm>> -> memref<384xi32, #tpu.memory_space<hbm>>
        %dma_start3A_89 = tpu.memref_slice %arg3[%mul3A_87] : memref<6144xi32, #tpu.memory_space<hbm>> -> memref<384xi32, #tpu.memory_space<hbm>>
        tpu.enqueue_dma source(%dma_start3A_89 : memref<384xi32, #tpu.memory_space<hbm>>) target(%arg6 : memref<384xi32, #tpu.memory_space<vmem>>) target_semaphore(%run_scoped3A : memref<!tpu.dma_semaphore, #tpu.memory_space<semaphore_mem>>)
        %dma_wait3A_90 = tpu.memref_slice %arg3[%mul3A_87] : memref<6144xi32, #tpu.memory_space<hbm>> -> memref<384xi32, #tpu.memory_space<hbm>>
        %dma_wait3A_91 = tpu.memref_slice %arg3[%mul3A_87] : memref<6144xi32, #tpu.memory_space<hbm>> -> memref<384xi32, #tpu.memory_space<hbm>>
        tpu.wait_dma2 semaphore(%run_scoped3A : memref<!tpu.dma_semaphore, #tpu.memory_space<semaphore_mem>>) src(%dma_wait3A_91 : memref<384xi32, #tpu.memory_space<hbm>>) dst(%arg6 : memref<384xi32, #tpu.memory_space<vmem>>)
        tpu.yield
      }) : () -> ()
    } else {
    }
    %eq3A_11 = arith.constant 1 : i32
    %eq3A_12 = arith.cmpi eq, %and3A_1, %eq3A_11 : i32
    %convert_element_type3A_13 = arith.extui %eq3A_12 : i1 to i32
    %cond3A_14 = arith.constant 0 : i32
    %cond3A_15 = arith.cmpi ne, %convert_element_type3A_13, %cond3A_14 : i32
    scf.if %cond3A_15 {
      %mul3A_86 = arith.constant 384 : i32
      %mul3A_87 = arith.muli %shift_right_arithmetic3A_2, %mul3A_86 : i32
      "tpu.region"() ({
        %run_scoped3A = tpu.sem_alloc : memref<!tpu.dma_semaphore, #tpu.memory_space<semaphore_mem>>
        %dma_start3A_88 = tpu.memref_slice %arg4[%mul3A_87] : memref<6144xi32, #tpu.memory_space<hbm>> -> memref<384xi32, #tpu.memory_space<hbm>>
        %dma_start3A_89 = tpu.memref_slice %arg4[%mul3A_87] : memref<6144xi32, #tpu.memory_space<hbm>> -> memref<384xi32, #tpu.memory_space<hbm>>
        tpu.enqueue_dma source(%dma_start3A_89 : memref<384xi32, #tpu.memory_space<hbm>>) target(%arg6 : memref<384xi32, #tpu.memory_space<vmem>>) target_semaphore(%run_scoped3A : memref<!tpu.dma_semaphore, #tpu.memory_space<semaphore_mem>>)
        %dma_wait3A_90 = tpu.memref_slice %arg4[%mul3A_87] : memref<6144xi32, #tpu.memory_space<hbm>> -> memref<384xi32, #tpu.memory_space<hbm>>
        %dma_wait3A_91 = tpu.memref_slice %arg4[%mul3A_87] : memref<6144xi32, #tpu.memory_space<hbm>> -> memref<384xi32, #tpu.memory_space<hbm>>
        tpu.wait_dma2 semaphore(%run_scoped3A : memref<!tpu.dma_semaphore, #tpu.memory_space<semaphore_mem>>) src(%dma_wait3A_91 : memref<384xi32, #tpu.memory_space<hbm>>) dst(%arg6 : memref<384xi32, #tpu.memory_space<vmem>>)
        tpu.yield
      }) : () -> ()
    } else {
    }
    %dma_start3A = arith.constant 0 : i32
    %dma_start3A_16 = tpu.memref_slice %arg6[%dma_start3A] : memref<384xi32, #tpu.memory_space<vmem>> -> memref<128xi32, #tpu.memory_space<vmem>>
    %dma_start3A_17 = arith.constant 0 : i32
    %dma_start3A_18 = arith.constant 0 : i32
    %dma_start3A_19 = tpu.memref_slice %arg2[%and3A_1, %dma_start3A_17, %dma_start3A_18] : memref<2x320x256xf32, #tpu.memory_space<hbm>> -> memref<1x320x256xf32, #tpu.memory_space<hbm>>
    %dma_start3A_20 = tpu.memref_squeeze %dma_start3A_19 : memref<1x320x256xf32, #tpu.memory_space<hbm>> -> memref<320x256xf32, #tpu.memory_space<hbm>>
    %dma_start3A_21 = arith.constant 0 : i32
    %dma_start3A_22 = arith.constant 0 : i32
    %dma_start3A_23 = tpu.memref_slice %dma_start3A_20[%dma_start3A_21, %dma_start3A_22] : memref<320x256xf32, #tpu.memory_space<hbm>> -> memref<320x256xf32, #tpu.memory_space<hbm>>
    tpu.enqueue_indirect_dma source(%dma_start3A_23 : memref<320x256xf32, #tpu.memory_space<hbm>>) target(%arg7 : memref<128x256xf32, #tpu.memory_space<vmem>>) offsets(%dma_start3A_16 : memref<128xi32, #tpu.memory_space<vmem>>) semaphore(%arg9 : memref<!tpu.dma_semaphore, #tpu.memory_space<semaphore_mem>>)
    %dma_start3A_24 = arith.constant 128 : i32
    %dma_start3A_25 = tpu.memref_slice %arg6[%dma_start3A_24] : memref<384xi32, #tpu.memory_space<vmem>> -> memref<128xi32, #tpu.memory_space<vmem>>
    %dma_start3A_26 = arith.constant 0 : i32
    %dma_start3A_27 = arith.constant 0 : i32
    %dma_start3A_28 = tpu.memref_slice %arg2[%and3A_1, %dma_start3A_26, %dma_start3A_27] : memref<2x320x256xf32, #tpu.memory_space<hbm>> -> memref<1x320x256xf32, #tpu.memory_space<hbm>>
    %dma_start3A_29 = tpu.memref_squeeze %dma_start3A_28 : memref<1x320x256xf32, #tpu.memory_space<hbm>> -> memref<320x256xf32, #tpu.memory_space<hbm>>
    %dma_start3A_30 = arith.constant 0 : i32
    %dma_start3A_31 = arith.constant 0 : i32
    %dma_start3A_32 = tpu.memref_slice %dma_start3A_29[%dma_start3A_30, %dma_start3A_31] : memref<320x256xf32, #tpu.memory_space<hbm>> -> memref<320x256xf32, #tpu.memory_space<hbm>>
    tpu.enqueue_indirect_dma source(%dma_start3A_32 : memref<320x256xf32, #tpu.memory_space<hbm>>) target(%arg8 : memref<128x256xf32, #tpu.memory_space<vmem>>) offsets(%dma_start3A_25 : memref<128xi32, #tpu.memory_space<vmem>>) semaphore(%arg10 : memref<!tpu.dma_semaphore, #tpu.memory_space<semaphore_mem>>)
    %dma_wait3A = arith.constant 0 : i32
    %dma_wait3A_33 = tpu.memref_slice %arg6[%dma_wait3A] : memref<384xi32, #tpu.memory_space<vmem>> -> memref<128xi32, #tpu.memory_space<vmem>>
    %dma_wait3A_34 = arith.constant 0 : i32
    %dma_wait3A_35 = arith.constant 0 : i32
    %dma_wait3A_36 = tpu.memref_slice %arg2[%and3A_1, %dma_wait3A_34, %dma_wait3A_35] : memref<2x320x256xf32, #tpu.memory_space<hbm>> -> memref<1x320x256xf32, #tpu.memory_space<hbm>>
    %dma_wait3A_37 = tpu.memref_squeeze %dma_wait3A_36 : memref<1x320x256xf32, #tpu.memory_space<hbm>> -> memref<320x256xf32, #tpu.memory_space<hbm>>
    %dma_wait3A_38 = arith.constant 0 : i32
    %dma_wait3A_39 = arith.constant 0 : i32
    %dma_wait3A_40 = tpu.memref_slice %dma_wait3A_37[%dma_wait3A_38, %dma_wait3A_39] : memref<320x256xf32, #tpu.memory_space<hbm>> -> memref<320x256xf32, #tpu.memory_space<hbm>>
    tpu.wait_indirect_dma semaphore(%arg9 : memref<!tpu.dma_semaphore, #tpu.memory_space<semaphore_mem>>) src(%dma_wait3A_40 : memref<320x256xf32, #tpu.memory_space<hbm>>) dst(%arg7 : memref<128x256xf32, #tpu.memory_space<vmem>>)
    %add3A_41 = arith.constant 0 : i32
    %add3A_42 = arith.addi %add3A_8, %add3A_41 : i32
    %dma_start3A_43 = tpu.memref_slice %arg5[%add3A_42, %mul3A_4] : memref<8192x512xf32, #tpu.memory_space<hbm>> -> memref<128x256xf32, #tpu.memory_space<hbm>>
    %dma_start3A_44 = tpu.memref_slice %arg5[%add3A_42, %mul3A_4] : memref<8192x512xf32, #tpu.memory_space<hbm>> -> memref<128x256xf32, #tpu.memory_space<hbm>>
    tpu.enqueue_dma source(%arg7 : memref<128x256xf32, #tpu.memory_space<vmem>>) target(%dma_start3A_44 : memref<128x256xf32, #tpu.memory_space<hbm>>) target_semaphore(%arg11 : memref<!tpu.dma_semaphore, #tpu.memory_space<semaphore_mem>>)
    %dma_wait3A_45 = tpu.memref_slice %arg5[%add3A_42, %mul3A_4] : memref<8192x512xf32, #tpu.memory_space<hbm>> -> memref<128x256xf32, #tpu.memory_space<hbm>>
    %dma_wait3A_46 = tpu.memref_slice %arg5[%add3A_42, %mul3A_4] : memref<8192x512xf32, #tpu.memory_space<hbm>> -> memref<128x256xf32, #tpu.memory_space<hbm>>
    tpu.wait_dma2 semaphore(%arg11 : memref<!tpu.dma_semaphore, #tpu.memory_space<semaphore_mem>>) src(%arg7 : memref<128x256xf32, #tpu.memory_space<vmem>>) dst(%dma_wait3A_46 : memref<128x256xf32, #tpu.memory_space<hbm>>)
    %dma_start3A_47 = arith.constant 256 : i32
    %dma_start3A_48 = tpu.memref_slice %arg6[%dma_start3A_47] : memref<384xi32, #tpu.memory_space<vmem>> -> memref<128xi32, #tpu.memory_space<vmem>>
    %dma_start3A_49 = arith.constant 0 : i32
    %dma_start3A_50 = arith.constant 0 : i32
    %dma_start3A_51 = tpu.memref_slice %arg2[%and3A_1, %dma_start3A_49, %dma_start3A_50] : memref<2x320x256xf32, #tpu.memory_space<hbm>> -> memref<1x320x256xf32, #tpu.memory_space<hbm>>
    %dma_start3A_52 = tpu.memref_squeeze %dma_start3A_51 : memref<1x320x256xf32, #tpu.memory_space<hbm>> -> memref<320x256xf32, #tpu.memory_space<hbm>>
    %dma_start3A_53 = arith.constant 0 : i32
    %dma_start3A_54 = arith.constant 0 : i32
    %dma_start3A_55 = tpu.memref_slice %dma_start3A_52[%dma_start3A_53, %dma_start3A_54] : memref<320x256xf32, #tpu.memory_space<hbm>> -> memref<320x256xf32, #tpu.memory_space<hbm>>
    tpu.enqueue_indirect_dma source(%dma_start3A_55 : memref<320x256xf32, #tpu.memory_space<hbm>>) target(%arg7 : memref<128x256xf32, #tpu.memory_space<vmem>>) offsets(%dma_start3A_48 : memref<128xi32, #tpu.memory_space<vmem>>) semaphore(%arg9 : memref<!tpu.dma_semaphore, #tpu.memory_space<semaphore_mem>>)
    %dma_wait3A_56 = arith.constant 128 : i32
    %dma_wait3A_57 = tpu.memref_slice %arg6[%dma_wait3A_56] : memref<384xi32, #tpu.memory_space<vmem>> -> memref<128xi32, #tpu.memory_space<vmem>>
    %dma_wait3A_58 = arith.constant 0 : i32
    %dma_wait3A_59 = arith.constant 0 : i32
    %dma_wait3A_60 = tpu.memref_slice %arg2[%and3A_1, %dma_wait3A_58, %dma_wait3A_59] : memref<2x320x256xf32, #tpu.memory_space<hbm>> -> memref<1x320x256xf32, #tpu.memory_space<hbm>>
    %dma_wait3A_61 = tpu.memref_squeeze %dma_wait3A_60 : memref<1x320x256xf32, #tpu.memory_space<hbm>> -> memref<320x256xf32, #tpu.memory_space<hbm>>
    %dma_wait3A_62 = arith.constant 0 : i32
    %dma_wait3A_63 = arith.constant 0 : i32
    %dma_wait3A_64 = tpu.memref_slice %dma_wait3A_61[%dma_wait3A_62, %dma_wait3A_63] : memref<320x256xf32, #tpu.memory_space<hbm>> -> memref<320x256xf32, #tpu.memory_space<hbm>>
    tpu.wait_indirect_dma semaphore(%arg10 : memref<!tpu.dma_semaphore, #tpu.memory_space<semaphore_mem>>) src(%dma_wait3A_64 : memref<320x256xf32, #tpu.memory_space<hbm>>) dst(%arg8 : memref<128x256xf32, #tpu.memory_space<vmem>>)
    %add3A_65 = arith.constant 128 : i32
    %add3A_66 = arith.addi %add3A_8, %add3A_65 : i32
    %dma_start3A_67 = tpu.memref_slice %arg5[%add3A_66, %mul3A_4] : memref<8192x512xf32, #tpu.memory_space<hbm>> -> memref<128x256xf32, #tpu.memory_space<hbm>>
    %dma_start3A_68 = tpu.memref_slice %arg5[%add3A_66, %mul3A_4] : memref<8192x512xf32, #tpu.memory_space<hbm>> -> memref<128x256xf32, #tpu.memory_space<hbm>>
    tpu.enqueue_dma source(%arg8 : memref<128x256xf32, #tpu.memory_space<vmem>>) target(%dma_start3A_68 : memref<128x256xf32, #tpu.memory_space<hbm>>) target_semaphore(%arg12 : memref<!tpu.dma_semaphore, #tpu.memory_space<semaphore_mem>>)
    %dma_wait3A_69 = arith.constant 256 : i32
    %dma_wait3A_70 = tpu.memref_slice %arg6[%dma_wait3A_69] : memref<384xi32, #tpu.memory_space<vmem>> -> memref<128xi32, #tpu.memory_space<vmem>>
    %dma_wait3A_71 = arith.constant 0 : i32
    %dma_wait3A_72 = arith.constant 0 : i32
    %dma_wait3A_73 = tpu.memref_slice %arg2[%and3A_1, %dma_wait3A_71, %dma_wait3A_72] : memref<2x320x256xf32, #tpu.memory_space<hbm>> -> memref<1x320x256xf32, #tpu.memory_space<hbm>>
    %dma_wait3A_74 = tpu.memref_squeeze %dma_wait3A_73 : memref<1x320x256xf32, #tpu.memory_space<hbm>> -> memref<320x256xf32, #tpu.memory_space<hbm>>
    %dma_wait3A_75 = arith.constant 0 : i32
    %dma_wait3A_76 = arith.constant 0 : i32
    %dma_wait3A_77 = tpu.memref_slice %dma_wait3A_74[%dma_wait3A_75, %dma_wait3A_76] : memref<320x256xf32, #tpu.memory_space<hbm>> -> memref<320x256xf32, #tpu.memory_space<hbm>>
    tpu.wait_indirect_dma semaphore(%arg9 : memref<!tpu.dma_semaphore, #tpu.memory_space<semaphore_mem>>) src(%dma_wait3A_77 : memref<320x256xf32, #tpu.memory_space<hbm>>) dst(%arg7 : memref<128x256xf32, #tpu.memory_space<vmem>>)
    %add3A_78 = arith.constant 256 : i32
    %add3A_79 = arith.addi %add3A_8, %add3A_78 : i32
    %dma_start3A_80 = tpu.memref_slice %arg5[%add3A_79, %mul3A_4] : memref<8192x512xf32, #tpu.memory_space<hbm>> -> memref<128x256xf32, #tpu.memory_space<hbm>>
    %dma_start3A_81 = tpu.memref_slice %arg5[%add3A_79, %mul3A_4] : memref<8192x512xf32, #tpu.memory_space<hbm>> -> memref<128x256xf32, #tpu.memory_space<hbm>>
    tpu.enqueue_dma source(%arg7 : memref<128x256xf32, #tpu.memory_space<vmem>>) target(%dma_start3A_81 : memref<128x256xf32, #tpu.memory_space<hbm>>) target_semaphore(%arg11 : memref<!tpu.dma_semaphore, #tpu.memory_space<semaphore_mem>>)
    %dma_wait3A_82 = tpu.memref_slice %arg5[%add3A_66, %mul3A_4] : memref<8192x512xf32, #tpu.memory_space<hbm>> -> memref<128x256xf32, #tpu.memory_space<hbm>>
    %dma_wait3A_83 = tpu.memref_slice %arg5[%add3A_66, %mul3A_4] : memref<8192x512xf32, #tpu.memory_space<hbm>> -> memref<128x256xf32, #tpu.memory_space<hbm>>
    tpu.wait_dma2 semaphore(%arg12 : memref<!tpu.dma_semaphore, #tpu.memory_space<semaphore_mem>>) src(%arg8 : memref<128x256xf32, #tpu.memory_space<vmem>>) dst(%dma_wait3A_83 : memref<128x256xf32, #tpu.memory_space<hbm>>)
    %dma_wait3A_84 = tpu.memref_slice %arg5[%add3A_79, %mul3A_4] : memref<8192x512xf32, #tpu.memory_space<hbm>> -> memref<128x256xf32, #tpu.memory_space<hbm>>
    %dma_wait3A_85 = tpu.memref_slice %arg5[%add3A_79, %mul3A_4] : memref<8192x512xf32, #tpu.memory_space<hbm>> -> memref<128x256xf32, #tpu.memory_space<hbm>>
    tpu.wait_dma2 semaphore(%arg11 : memref<!tpu.dma_semaphore, #tpu.memory_space<semaphore_mem>>) src(%arg7 : memref<128x256xf32, #tpu.memory_space<vmem>>) dst(%dma_wait3A_85 : memref<128x256xf32, #tpu.memory_space<hbm>>)
    return
  }
}

#map = affine_map<(d0, d1) -> (0, 0, 0)>
#map1 = affine_map<(d0, d1) -> (0)>
#map2 = affine_map<(d0, d1) -> (0, 0)>
module attributes {stable_mosaic.version = 14 : i64} {
  func.func @new_body(%arg0: i32, %arg1: i32, %arg2: memref<2x320x256xf32, #tpu.memory_space<hbm>>, %arg3: memref<2048xi32, #tpu.memory_space<hbm>>, %arg4: memref<2048xi32, #tpu.memory_space<hbm>>, %arg5: memref<8192x512xf32, #tpu.memory_space<hbm>>, %arg6: memref<8192x512xf32, #tpu.memory_space<hbm>>, %arg7: memref<128xi32, #tpu.memory_space<vmem>>, %arg8: memref<128x256xf32, #tpu.memory_space<vmem>>, %arg9: memref<128x256xf32, #tpu.memory_space<vmem>>, %arg10: memref<!tpu.dma_semaphore, #tpu.memory_space<semaphore_mem>>, %arg11: memref<!tpu.dma_semaphore, #tpu.memory_space<semaphore_mem>>, %arg12: memref<!tpu.dma_semaphore, #tpu.memory_space<semaphore_mem>>, %arg13: memref<!tpu.dma_semaphore, #tpu.memory_space<semaphore_mem>>) attributes {dimension_semantics = [#tpu.dimension_semantics<core_parallel>, #tpu.dimension_semantics<subcore_parallel>], iteration_bounds = array<i64: 2, 16>, scalar_prefetch = 0 : i64, scratch_operands = 7 : i64, tpu.core_type = #tpu.core_type<sc_vector_subcore>, window_params = [{transform_indices = #map}, {transform_indices = #map1}, {transform_indices = #map1}, {transform_indices = #map2}, {transform_indices = #map2}]} {
    %mul3A = arith.constant 2 : i32
    %mul3A_0 = arith.muli %arg1, %mul3A : i32
    %add3A = arith.addi %mul3A_0, %arg0 : i32
    %and3A = arith.constant 1 : i32
    %and3A_1 = arith.andi %add3A, %and3A : i32
    %shift_right_arithmetic3A = arith.constant 1 : i32
    %shift_right_arithmetic3A_2 = arith.shrsi %add3A, %shift_right_arithmetic3A : i32
    %mul3A_3 = arith.constant 256 : i32
    %mul3A_4 = arith.muli %and3A_1, %mul3A_3 : i32
    %mul3A_5 = arith.constant 128 : i32
    %mul3A_6 = arith.muli %shift_right_arithmetic3A_2, %mul3A_5 : i32
    %add3A_7 = arith.constant 6144 : i32
    %add3A_8 = arith.addi %add3A_7, %mul3A_6 : i32
    %eq3A = arith.constant 0 : i32
    %eq3A_9 = arith.cmpi eq, %and3A_1, %eq3A : i32
    %convert_element_type3A = arith.extui %eq3A_9 : i1 to i32
    %cond3A = arith.constant 0 : i32
    %cond3A_10 = arith.cmpi ne, %convert_element_type3A, %cond3A : i32
    scf.if %cond3A_10 {
      %mul3A_38 = arith.constant 128 : i32
      %mul3A_39 = arith.muli %shift_right_arithmetic3A_2, %mul3A_38 : i32
      "tpu.region"() ({
        %run_scoped3A = tpu.sem_alloc : memref<!tpu.dma_semaphore, #tpu.memory_space<semaphore_mem>>
        %dma_start3A_40 = tpu.memref_slice %arg3[%mul3A_39] : memref<2048xi32, #tpu.memory_space<hbm>> -> memref<128xi32, #tpu.memory_space<hbm>>
        %dma_start3A_41 = tpu.memref_slice %arg3[%mul3A_39] : memref<2048xi32, #tpu.memory_space<hbm>> -> memref<128xi32, #tpu.memory_space<hbm>>
        tpu.enqueue_dma source(%dma_start3A_41 : memref<128xi32, #tpu.memory_space<hbm>>) target(%arg7 : memref<128xi32, #tpu.memory_space<vmem>>) target_semaphore(%run_scoped3A : memref<!tpu.dma_semaphore, #tpu.memory_space<semaphore_mem>>)
        %dma_wait3A_42 = tpu.memref_slice %arg3[%mul3A_39] : memref<2048xi32, #tpu.memory_space<hbm>> -> memref<128xi32, #tpu.memory_space<hbm>>
        %dma_wait3A_43 = tpu.memref_slice %arg3[%mul3A_39] : memref<2048xi32, #tpu.memory_space<hbm>> -> memref<128xi32, #tpu.memory_space<hbm>>
        tpu.wait_dma2 semaphore(%run_scoped3A : memref<!tpu.dma_semaphore, #tpu.memory_space<semaphore_mem>>) src(%dma_wait3A_43 : memref<128xi32, #tpu.memory_space<hbm>>) dst(%arg7 : memref<128xi32, #tpu.memory_space<vmem>>)
        tpu.yield
      }) : () -> ()
    } else {
    }
    %eq3A_11 = arith.constant 1 : i32
    %eq3A_12 = arith.cmpi eq, %and3A_1, %eq3A_11 : i32
    %convert_element_type3A_13 = arith.extui %eq3A_12 : i1 to i32
    %cond3A_14 = arith.constant 0 : i32
    %cond3A_15 = arith.cmpi ne, %convert_element_type3A_13, %cond3A_14 : i32
    scf.if %cond3A_15 {
      %mul3A_38 = arith.constant 128 : i32
      %mul3A_39 = arith.muli %shift_right_arithmetic3A_2, %mul3A_38 : i32
      "tpu.region"() ({
        %run_scoped3A = tpu.sem_alloc : memref<!tpu.dma_semaphore, #tpu.memory_space<semaphore_mem>>
        %dma_start3A_40 = tpu.memref_slice %arg4[%mul3A_39] : memref<2048xi32, #tpu.memory_space<hbm>> -> memref<128xi32, #tpu.memory_space<hbm>>
        %dma_start3A_41 = tpu.memref_slice %arg4[%mul3A_39] : memref<2048xi32, #tpu.memory_space<hbm>> -> memref<128xi32, #tpu.memory_space<hbm>>
        tpu.enqueue_dma source(%dma_start3A_41 : memref<128xi32, #tpu.memory_space<hbm>>) target(%arg7 : memref<128xi32, #tpu.memory_space<vmem>>) target_semaphore(%run_scoped3A : memref<!tpu.dma_semaphore, #tpu.memory_space<semaphore_mem>>)
        %dma_wait3A_42 = tpu.memref_slice %arg4[%mul3A_39] : memref<2048xi32, #tpu.memory_space<hbm>> -> memref<128xi32, #tpu.memory_space<hbm>>
        %dma_wait3A_43 = tpu.memref_slice %arg4[%mul3A_39] : memref<2048xi32, #tpu.memory_space<hbm>> -> memref<128xi32, #tpu.memory_space<hbm>>
        tpu.wait_dma2 semaphore(%run_scoped3A : memref<!tpu.dma_semaphore, #tpu.memory_space<semaphore_mem>>) src(%dma_wait3A_43 : memref<128xi32, #tpu.memory_space<hbm>>) dst(%arg7 : memref<128xi32, #tpu.memory_space<vmem>>)
        tpu.yield
      }) : () -> ()
    } else {
    }
    %dma_start3A = arith.constant 0 : i32
    %dma_start3A_16 = tpu.memref_slice %arg7[%dma_start3A] : memref<128xi32, #tpu.memory_space<vmem>> -> memref<128xi32, #tpu.memory_space<vmem>>
    %dma_start3A_17 = arith.constant 0 : i32
    %dma_start3A_18 = arith.constant 0 : i32
    %dma_start3A_19 = tpu.memref_slice %arg2[%and3A_1, %dma_start3A_17, %dma_start3A_18] : memref<2x320x256xf32, #tpu.memory_space<hbm>> -> memref<1x320x256xf32, #tpu.memory_space<hbm>>
    %dma_start3A_20 = tpu.memref_squeeze %dma_start3A_19 : memref<1x320x256xf32, #tpu.memory_space<hbm>> -> memref<320x256xf32, #tpu.memory_space<hbm>>
    %dma_start3A_21 = arith.constant 0 : i32
    %dma_start3A_22 = arith.constant 0 : i32
    %dma_start3A_23 = tpu.memref_slice %dma_start3A_20[%dma_start3A_21, %dma_start3A_22] : memref<320x256xf32, #tpu.memory_space<hbm>> -> memref<320x256xf32, #tpu.memory_space<hbm>>
    tpu.enqueue_indirect_dma source(%dma_start3A_23 : memref<320x256xf32, #tpu.memory_space<hbm>>) target(%arg8 : memref<128x256xf32, #tpu.memory_space<vmem>>) offsets(%dma_start3A_16 : memref<128xi32, #tpu.memory_space<vmem>>) semaphore(%arg10 : memref<!tpu.dma_semaphore, #tpu.memory_space<semaphore_mem>>)
    %dma_wait3A = arith.constant 0 : i32
    %dma_wait3A_24 = tpu.memref_slice %arg7[%dma_wait3A] : memref<128xi32, #tpu.memory_space<vmem>> -> memref<128xi32, #tpu.memory_space<vmem>>
    %dma_wait3A_25 = arith.constant 0 : i32
    %dma_wait3A_26 = arith.constant 0 : i32
    %dma_wait3A_27 = tpu.memref_slice %arg2[%and3A_1, %dma_wait3A_25, %dma_wait3A_26] : memref<2x320x256xf32, #tpu.memory_space<hbm>> -> memref<1x320x256xf32, #tpu.memory_space<hbm>>
    %dma_wait3A_28 = tpu.memref_squeeze %dma_wait3A_27 : memref<1x320x256xf32, #tpu.memory_space<hbm>> -> memref<320x256xf32, #tpu.memory_space<hbm>>
    %dma_wait3A_29 = arith.constant 0 : i32
    %dma_wait3A_30 = arith.constant 0 : i32
    %dma_wait3A_31 = tpu.memref_slice %dma_wait3A_28[%dma_wait3A_29, %dma_wait3A_30] : memref<320x256xf32, #tpu.memory_space<hbm>> -> memref<320x256xf32, #tpu.memory_space<hbm>>
    tpu.wait_indirect_dma semaphore(%arg10 : memref<!tpu.dma_semaphore, #tpu.memory_space<semaphore_mem>>) src(%dma_wait3A_31 : memref<320x256xf32, #tpu.memory_space<hbm>>) dst(%arg8 : memref<128x256xf32, #tpu.memory_space<vmem>>)
    %add3A_32 = arith.constant 0 : i32
    %add3A_33 = arith.addi %add3A_8, %add3A_32 : i32
    %dma_start3A_34 = tpu.memref_slice %arg5[%add3A_33, %mul3A_4] : memref<8192x512xf32, #tpu.memory_space<hbm>> -> memref<128x256xf32, #tpu.memory_space<hbm>>
    %dma_start3A_35 = tpu.memref_slice %arg5[%add3A_33, %mul3A_4] : memref<8192x512xf32, #tpu.memory_space<hbm>> -> memref<128x256xf32, #tpu.memory_space<hbm>>
    tpu.enqueue_dma source(%arg8 : memref<128x256xf32, #tpu.memory_space<vmem>>) target(%dma_start3A_35 : memref<128x256xf32, #tpu.memory_space<hbm>>) target_semaphore(%arg12 : memref<!tpu.dma_semaphore, #tpu.memory_space<semaphore_mem>>)
    %dma_wait3A_36 = tpu.memref_slice %arg5[%add3A_33, %mul3A_4] : memref<8192x512xf32, #tpu.memory_space<hbm>> -> memref<128x256xf32, #tpu.memory_space<hbm>>
    %dma_wait3A_37 = tpu.memref_slice %arg5[%add3A_33, %mul3A_4] : memref<8192x512xf32, #tpu.memory_space<hbm>> -> memref<128x256xf32, #tpu.memory_space<hbm>>
    tpu.wait_dma2 semaphore(%arg12 : memref<!tpu.dma_semaphore, #tpu.memory_space<semaphore_mem>>) src(%arg8 : memref<128x256xf32, #tpu.memory_space<vmem>>) dst(%dma_wait3A_37 : memref<128x256xf32, #tpu.memory_space<hbm>>)
    return
  }
}

module attributes {stable_mosaic.version = 14 : i64} {
  func.func @_tc_body(%arg0: i32, %arg1: memref<1024x1024xf32, #tpu.memory_space<vmem>>, %arg2: memref<640x1024xf32, #tpu.memory_space<vmem>>, %arg3: memref<4x384xf32, #tpu.memory_space<vmem>>, %arg4: memref<1x384xf32, #tpu.memory_space<vmem>>, %arg5: memref<1x384xf32, #tpu.memory_space<vmem>>, %arg6: memref<1x384xf32, #tpu.memory_space<vmem>>, %arg7: memref<1x384xf32, #tpu.memory_space<vmem>>, %arg8: memref<1x384xf32, #tpu.memory_space<vmem>>, %arg9: memref<1x384xf32, #tpu.memory_space<vmem>>, %arg10: memref<1024xi32, #tpu.memory_space<vmem>>, %arg11: memref<1024xi32, #tpu.memory_space<vmem>>, %arg12: memref<1x384xf32, #tpu.memory_space<vmem>>, %arg13: memref<1x384xf32, #tpu.memory_space<vmem>>, %arg14: memref<1x384xf32, #tpu.memory_space<vmem>>, %arg15: memref<1x384xf32, #tpu.memory_space<vmem>>, %arg16: memref<1x384xf32, #tpu.memory_space<vmem>>, %arg17: memref<1x384xf32, #tpu.memory_space<vmem>>, %arg18: memref<1x1xf32, #tpu.memory_space<smem>>, %arg19: memref<1x1xf32, #tpu.memory_space<smem>>, %arg20: memref<1x1xf32, #tpu.memory_space<smem>>, %arg21: memref<768x1024xf32, #tpu.memory_space<vmem>>, %arg22: memref<2x384xf32, #tpu.memory_space<vmem>>, %arg23: memref<2x384xf32, #tpu.memory_space<vmem>>, %arg24: memref<1x384xf32, #tpu.memory_space<vmem>>, %arg25: memref<1x384xf32, #tpu.memory_space<vmem>>, %arg26: memref<1x384xf32, #tpu.memory_space<vmem>>, %arg27: memref<1x384xf32, #tpu.memory_space<vmem>>, %arg28: memref<1x384xf32, #tpu.memory_space<vmem>>, %arg29: memref<1x384xf32, #tpu.memory_space<vmem>>) attributes {dimension_semantics = [#tpu.dimension_semantics<arbitrary>], iteration_bounds = array<i64: 2>, scalar_prefetch = 0 : i64, scratch_operands = 9 : i64, tpu.core_type = #tpu.core_type<tc>, window_params = [{transform_indices = @transform_0, window_bounds = array<i64: 1024, 1024>}, {pipeline_mode = #tpu.pipeline_mode<synchronous>, transform_indices = @transform_1, window_bounds = array<i64: 640, 1024>}, {transform_indices = @transform_2, window_bounds = array<i64: 4, 384>}, {pipeline_mode = #tpu.pipeline_mode<synchronous>, transform_indices = @transform_3, window_bounds = array<i64: 1, 384>}, {pipeline_mode = #tpu.pipeline_mode<synchronous>, transform_indices = @transform_4, window_bounds = array<i64: 1, 384>}, {pipeline_mode = #tpu.pipeline_mode<synchronous>, transform_indices = @transform_5, window_bounds = array<i64: 1, 384>}, {pipeline_mode = #tpu.pipeline_mode<synchronous>, transform_indices = @transform_6, window_bounds = array<i64: 1, 384>}, {pipeline_mode = #tpu.pipeline_mode<synchronous>, transform_indices = @transform_7, window_bounds = array<i64: 1, 384>}, {pipeline_mode = #tpu.pipeline_mode<synchronous>, transform_indices = @transform_8, window_bounds = array<i64: 1, 384>}, {transform_indices = @transform_9, window_bounds = array<i64: 1024>}, {transform_indices = @transform_10, window_bounds = array<i64: 1024>}, {pipeline_mode = #tpu.pipeline_mode<synchronous>, transform_indices = @transform_11, window_bounds = array<i64: 1, 384>}, {pipeline_mode = #tpu.pipeline_mode<synchronous>, transform_indices = @transform_12, window_bounds = array<i64: 1, 384>}, {pipeline_mode = #tpu.pipeline_mode<synchronous>, transform_indices = @transform_13, window_bounds = array<i64: 1, 384>}, {pipeline_mode = #tpu.pipeline_mode<synchronous>, transform_indices = @transform_14, window_bounds = array<i64: 1, 384>}, {pipeline_mode = #tpu.pipeline_mode<synchronous>, transform_indices = @transform_15, window_bounds = array<i64: 1, 384>}, {pipeline_mode = #tpu.pipeline_mode<synchronous>, transform_indices = @transform_16, window_bounds = array<i64: 1, 384>}, {transform_indices = @transform_17, window_bounds = array<i64: 1, 1>}, {transform_indices = @transform_18, window_bounds = array<i64: 1, 1>}, {transform_indices = @transform_19, window_bounds = array<i64: 1, 1>}]} {
    %eq3A = arith.constant 0 : i32
    %eq3A_0 = arith.cmpi eq, %arg0, %eq3A : i32
    %convert_element_type3A = arith.extui %eq3A_0 : i1 to i32
    %cond3A = arith.constant 0 : i32
    %cond3A_1 = arith.cmpi ne, %convert_element_type3A, %cond3A : i32
    scf.if %cond3A_1 {
      %get3A_136 = arith.constant 0 : index
      %get3A_137 = arith.constant 0 : index
      %get3A_138 = vector.load %arg4[%get3A_136, %get3A_137] : memref<1x384xf32, #tpu.memory_space<vmem>>, vector<1x384xf32>
      %swap3A_139 = arith.constant 0 : index
      %swap3A_140 = arith.constant 0 : index
      %swap3A_141 = vector.load %arg24[%swap3A_139, %swap3A_140] : memref<1x384xf32, #tpu.memory_space<vmem>>, vector<1x384xf32>
      tpu.vector_store %arg24[%swap3A_139, %swap3A_140], %get3A_138 {strides = array<i32>} : memref<1x384xf32, #tpu.memory_space<vmem>>, vector<1x384xf32>,
      %get3A_142 = arith.constant 0 : index
      %get3A_143 = arith.constant 0 : index
      %get3A_144 = vector.load %arg5[%get3A_142, %get3A_143] : memref<1x384xf32, #tpu.memory_space<vmem>>, vector<1x384xf32>
      %swap3A_145 = arith.constant 0 : index
      %swap3A_146 = arith.constant 0 : index
      %swap3A_147 = vector.load %arg25[%swap3A_145, %swap3A_146] : memref<1x384xf32, #tpu.memory_space<vmem>>, vector<1x384xf32>
      tpu.vector_store %arg25[%swap3A_145, %swap3A_146], %get3A_144 {strides = array<i32>} : memref<1x384xf32, #tpu.memory_space<vmem>>, vector<1x384xf32>,
      %get3A_148 = arith.constant 0 : index
      %get3A_149 = arith.constant 0 : index
      %get3A_150 = vector.load %arg6[%get3A_148, %get3A_149] : memref<1x384xf32, #tpu.memory_space<vmem>>, vector<1x384xf32>
      %swap3A_151 = arith.constant 0 : index
      %swap3A_152 = arith.constant 0 : index
      %swap3A_153 = vector.load %arg26[%swap3A_151, %swap3A_152] : memref<1x384xf32, #tpu.memory_space<vmem>>, vector<1x384xf32>
      tpu.vector_store %arg26[%swap3A_151, %swap3A_152], %get3A_150 {strides = array<i32>} : memref<1x384xf32, #tpu.memory_space<vmem>>, vector<1x384xf32>,
      %get3A_154 = arith.constant 0 : index
      %get3A_155 = arith.constant 0 : index
      %get3A_156 = vector.load %arg7[%get3A_154, %get3A_155] : memref<1x384xf32, #tpu.memory_space<vmem>>, vector<1x384xf32>
      %swap3A_157 = arith.constant 0 : index
      %swap3A_158 = arith.constant 0 : index
      %swap3A_159 = vector.load %arg27[%swap3A_157, %swap3A_158] : memref<1x384xf32, #tpu.memory_space<vmem>>, vector<1x384xf32>
      tpu.vector_store %arg27[%swap3A_157, %swap3A_158], %get3A_156 {strides = array<i32>} : memref<1x384xf32, #tpu.memory_space<vmem>>, vector<1x384xf32>,
      %get3A_160 = arith.constant 0 : index
      %get3A_161 = arith.constant 0 : index
      %get3A_162 = vector.load %arg8[%get3A_160, %get3A_161] : memref<1x384xf32, #tpu.memory_space<vmem>>, vector<1x384xf32>
      %swap3A_163 = arith.constant 0 : index
      %swap3A_164 = arith.constant 0 : index
      %swap3A_165 = vector.load %arg28[%swap3A_163, %swap3A_164] : memref<1x384xf32, #tpu.memory_space<vmem>>, vector<1x384xf32>
      tpu.vector_store %arg28[%swap3A_163, %swap3A_164], %get3A_162 {strides = array<i32>} : memref<1x384xf32, #tpu.memory_space<vmem>>, vector<1x384xf32>,
      %get3A_166 = arith.constant 0 : index
      %get3A_167 = arith.constant 0 : index
      %get3A_168 = vector.load %arg9[%get3A_166, %get3A_167] : memref<1x384xf32, #tpu.memory_space<vmem>>, vector<1x384xf32>
      %swap3A_169 = arith.constant 0 : index
      %swap3A_170 = arith.constant 0 : index
      %swap3A_171 = vector.load %arg29[%swap3A_169, %swap3A_170] : memref<1x384xf32, #tpu.memory_space<vmem>>, vector<1x384xf32>
      tpu.vector_store %arg29[%swap3A_169, %swap3A_170], %get3A_168 {strides = array<i32>} : memref<1x384xf32, #tpu.memory_space<vmem>>, vector<1x384xf32>,
      %get3A_172 = arith.constant 0 : index
      %get3A_173 = arith.constant 0 : index
      %get3A_174 = vector.load %arg2[%get3A_172, %get3A_173] : memref<640x1024xf32, #tpu.memory_space<vmem>>, vector<320x1024xf32>
      %swap3A_175 = arith.constant 0 : index
      %swap3A_176 = arith.constant 0 : index
      %swap3A_177 = vector.load %arg21[%swap3A_175, %swap3A_176] : memref<768x1024xf32, #tpu.memory_space<vmem>>, vector<320x1024xf32>
      tpu.vector_store %arg21[%swap3A_175, %swap3A_176], %get3A_174 {strides = array<i32>} : memref<768x1024xf32, #tpu.memory_space<vmem>>, vector<320x1024xf32>,
      %broadcast_in_dim3A_178 = arith.constant 0.000000e+00 : f32
      %broadcast_in_dim3A_179 = vector.broadcast %broadcast_in_dim3A_178 : f32 to vector<64x1024xf32>
      %swap3A_180 = arith.constant 320 : index
      %swap3A_181 = arith.constant 0 : index
      %swap3A_182 = vector.load %arg21[%swap3A_180, %swap3A_181] : memref<768x1024xf32, #tpu.memory_space<vmem>>, vector<64x1024xf32>
      tpu.vector_store %arg21[%swap3A_180, %swap3A_181], %broadcast_in_dim3A_179 {strides = array<i32>} : memref<768x1024xf32, #tpu.memory_space<vmem>>, vector<64x1024xf32>,
      %get3A_183 = arith.constant 320 : index
      %get3A_184 = arith.constant 0 : index
      %get3A_185 = vector.load %arg2[%get3A_183, %get3A_184] : memref<640x1024xf32, #tpu.memory_space<vmem>>, vector<320x1024xf32>
      %swap3A_186 = arith.constant 384 : index
      %swap3A_187 = arith.constant 0 : index
      %swap3A_188 = vector.load %arg21[%swap3A_186, %swap3A_187] : memref<768x1024xf32, #tpu.memory_space<vmem>>, vector<320x1024xf32>
      tpu.vector_store %arg21[%swap3A_186, %swap3A_187], %get3A_185 {strides = array<i32>} : memref<768x1024xf32, #tpu.memory_space<vmem>>, vector<320x1024xf32>,
      %broadcast_in_dim3A_189 = arith.constant 0.000000e+00 : f32
      %broadcast_in_dim3A_190 = vector.broadcast %broadcast_in_dim3A_189 : f32 to vector<64x1024xf32>
      %swap3A_191 = arith.constant 704 : index
      %swap3A_192 = arith.constant 0 : index
      %swap3A_193 = vector.load %arg21[%swap3A_191, %swap3A_192] : memref<768x1024xf32, #tpu.memory_space<vmem>>, vector<64x1024xf32>
      tpu.vector_store %arg21[%swap3A_191, %swap3A_192], %broadcast_in_dim3A_190 {strides = array<i32>} : memref<768x1024xf32, #tpu.memory_space<vmem>>, vector<64x1024xf32>,
      %iota3A_194 = tpu.iota {dimensions = array<i32: 1>} : vector<2x384xi32>
      %lt3A = arith.constant 320 : i32
      %lt3A_195 = vector.broadcast %lt3A : i32 to vector<2x384xi32>
      %lt3A_196 = arith.cmpi slt, %iota3A_194, %lt3A_195 : vector<2x384xi32>
      %get3A_197 = arith.constant 0 : index
      %get3A_198 = arith.constant 0 : index
      %get3A_199 = vector.load %arg3[%get3A_197, %get3A_198] : memref<4x384xf32, #tpu.memory_space<vmem>>, vector<2x384xf32>
      %jit3A = arith.constant 0.000000e+00 : f32
      %broadcast_in_dim3A_200 = vector.broadcast %jit3A : f32 to vector<2x384xf32>
      %select_n3A = arith.select %lt3A_196, %get3A_199, %broadcast_in_dim3A_200 : vector<2x384xi1>, vector<2x384xf32>
      %get3A_201 = arith.constant 2 : index
      %get3A_202 = arith.constant 0 : index
      %get3A_203 = vector.load %arg3[%get3A_201, %get3A_202] : memref<4x384xf32, #tpu.memory_space<vmem>>, vector<2x384xf32>
      %reduce_sum3A_204 = vector.shape_cast %select_n3A : vector<2x384xf32> to vector<1x2x384xf32>
      %reduce_sum3A_205 = arith.constant dense<0.000000e+00> : vector<1xf32>
      %reduce_sum3A_206 = vector.multi_reduction <add>, %reduce_sum3A_204, %reduce_sum3A_205 [1, 2] : vector<1x2x384xf32> to vector<1xf32>
      %reduce_sum3A_207 = vector.shape_cast %reduce_sum3A_206 : vector<1xf32> to vector<1x1x1xf32>
      %reduce_sum3A_208 = vector.extract %reduce_sum3A_207[0, 0, 0] : f32 from vector<1x1x1xf32>
      %mul3A_209 = arith.constant 1.562500e-03 : f32
      %mul3A_210 = arith.mulf %reduce_sum3A_208, %mul3A_209 : f32
      %sub3A_211 = vector.broadcast %mul3A_210 : f32 to vector<2x384xf32>
      %sub3A_212 = arith.subf %select_n3A, %sub3A_211 : vector<2x384xf32>
      %mul3A_213 = arith.constant 1.000000e+01 : f32
      %mul3A_214 = vector.broadcast %mul3A_213 : f32 to vector<2x384xf32>
      %mul3A_215 = arith.mulf %mul3A_214, %sub3A_212 : vector<2x384xf32>
      %add3A_216 = arith.constant 1.000000e+00 : f32
      %add3A_217 = vector.broadcast %add3A_216 : f32 to vector<2x384xf32>
      %add3A_218 = arith.addf %add3A_217, %mul3A_215 : vector<2x384xf32>
      %jit3A_219 = arith.constant 1.000000e+00 : f32
      %broadcast_in_dim3A_220 = vector.broadcast %jit3A_219 : f32 to vector<2x384xf32>
      %select_n3A_221 = arith.select %lt3A_196, %add3A_218, %broadcast_in_dim3A_220 : vector<2x384xi1>, vector<2x384xf32>
      %swap3A_222 = arith.constant 0 : index
      %swap3A_223 = arith.constant 0 : index
      %swap3A_224 = vector.load %arg22[%swap3A_222, %swap3A_223] : memref<2x384xf32, #tpu.memory_space<vmem>>, vector<2x384xf32>
      tpu.vector_store %arg22[%swap3A_222, %swap3A_223], %select_n3A_221 {strides = array<i32>} : memref<2x384xf32, #tpu.memory_space<vmem>>, vector<2x384xf32>,
      %mul3A_225 = arith.mulf %get3A_203, %add3A_218 : vector<2x384xf32>
      %jit3A_226 = arith.constant -1.000000e+30 : f32
      %broadcast_in_dim3A_227 = vector.broadcast %jit3A_226 : f32 to vector<2x384xf32>
      %select_n3A_228 = arith.select %lt3A_196, %mul3A_225, %broadcast_in_dim3A_227 : vector<2x384xi1>, vector<2x384xf32>
      %swap3A_229 = arith.constant 0 : index
      %swap3A_230 = arith.constant 0 : index
      %swap3A_231 = vector.load %arg23[%swap3A_229, %swap3A_230] : memref<2x384xf32, #tpu.memory_space<vmem>>, vector<2x384xf32>
      tpu.vector_store %arg23[%swap3A_229, %swap3A_230], %select_n3A_228 {strides = array<i32>} : memref<2x384xf32, #tpu.memory_space<vmem>>, vector<2x384xf32>,
    } else {
    }
    %get3A = arith.constant 0 : index
    %get3A_2 = arith.constant 0 : index
    %get3A_3 = vector.load %arg1[%get3A, %get3A_2] : memref<1024x1024xf32, #tpu.memory_space<vmem>>, vector<1024x1024xf32>
    %get3A_4 = arith.constant 0 : index
    %get3A_5 = arith.constant 0 : index
    %get3A_6 = vector.load %arg21[%get3A_4, %get3A_5] : memref<768x1024xf32, #tpu.memory_space<vmem>>, vector<768x1024xf32>
    %dot_general3A = arith.constant dense<0.000000e+00> : vector<1024x768xf32>
    %dot_general3A_7 = tpu.matmul %get3A_3, %get3A_6, %dot_general3A {dimension_numbers = #tpu.dot_dimension_numbers<[1], [1], [0], [0], [0, 0, 1, 0], [], []>, transpose_lhs_hint = false} : vector<1024x1024xf32>, vector<768x1024xf32>, vector<1024x768xf32> -> vector<1024x768xf32>
    %slice3A = vector.extract_strided_slice %dot_general3A_7 {offsets = [0, 0], sizes = [1024, 384], strides = [1, 1]} : vector<1024x768xf32> to vector<1024x384xf32>
    %get3A_8 = arith.constant 0 : index
    %get3A_9 = arith.constant 0 : index
    %get3A_10 = vector.load %arg22[%get3A_8, %get3A_9] : memref<2x384xf32, #tpu.memory_space<vmem>>, vector<1x384xf32>
    %get3A_11 = vector.shape_cast %get3A_10 : vector<1x384xf32> to vector<384xf32>
    %broadcast_in_dim3A = vector.shape_cast %get3A_11 : vector<384xf32> to vector<1x384xf32>
    %mul3A = vector.broadcast %broadcast_in_dim3A : vector<1x384xf32> to vector<1024x384xf32>
    %mul3A_12 = arith.mulf %slice3A, %mul3A : vector<1024x384xf32>
    %get3A_13 = arith.constant 0 : index
    %get3A_14 = arith.constant 0 : index
    %get3A_15 = vector.load %arg23[%get3A_13, %get3A_14] : memref<2x384xf32, #tpu.memory_space<vmem>>, vector<1x384xf32>
    %get3A_16 = vector.shape_cast %get3A_15 : vector<1x384xf32> to vector<384xf32>
    %broadcast_in_dim3A_17 = vector.shape_cast %get3A_16 : vector<384xf32> to vector<1x384xf32>
    %add3A = vector.broadcast %broadcast_in_dim3A_17 : vector<1x384xf32> to vector<1024x384xf32>
    %add3A_18 = arith.addf %mul3A_12, %add3A : vector<1024x384xf32>
    %reduce_max3A = arith.constant dense<0xFF800000> : vector<1024xf32>
    %reduce_max3A_19 = vector.multi_reduction <maximumf>, %add3A_18, %reduce_max3A [1] : vector<1024x384xf32> to vector<1024xf32>
    %broadcast_in_dim3A_20 = vector.shape_cast %reduce_max3A_19 : vector<1024xf32> to vector<1024x1xf32>
    %sub3A = vector.broadcast %broadcast_in_dim3A_20 : vector<1024x1xf32> to vector<1024x384xf32>
    %sub3A_21 = arith.subf %add3A_18, %sub3A : vector<1024x384xf32>
    %exp3A = math.exp %sub3A_21 : vector<1024x384xf32>
    %reduce_sum3A = arith.constant dense<0.000000e+00> : vector<1024xf32>
    %reduce_sum3A_22 = vector.multi_reduction <add>, %exp3A, %reduce_sum3A [1] : vector<1024x384xf32> to vector<1024xf32>
    %broadcast_in_dim3A_23 = vector.shape_cast %reduce_sum3A_22 : vector<1024xf32> to vector<1024x1xf32>
    %div3A = vector.broadcast %broadcast_in_dim3A_23 : vector<1024x1xf32> to vector<1024x384xf32>
    %div3A_24 = arith.divf %exp3A, %div3A : vector<1024x384xf32>
    %get3A_25 = arith.constant 0 : index
    %get3A_26 = arith.constant 0 : index
    %get3A_27 = vector.load %arg24[%get3A_25, %get3A_26] : memref<1x384xf32, #tpu.memory_space<vmem>>, vector<1x384xf32>
    %reduce_sum3A_28 = arith.constant dense<0.000000e+00> : vector<384xf32>
    %reduce_sum3A_29 = vector.multi_reduction <add>, %div3A_24, %reduce_sum3A_28 [0] : vector<1024x384xf32> to vector<384xf32>
    %broadcast_in_dim3A_30 = vector.shape_cast %reduce_sum3A_29 : vector<384xf32> to vector<1x384xf32>
    %add3A_31 = arith.addf %get3A_27, %broadcast_in_dim3A_30 : vector<1x384xf32>
    %swap3A = arith.constant 0 : index
    %swap3A_32 = arith.constant 0 : index
    %swap3A_33 = vector.load %arg24[%swap3A, %swap3A_32] : memref<1x384xf32, #tpu.memory_space<vmem>>, vector<1x384xf32>
    tpu.vector_store %arg24[%swap3A, %swap3A_32], %add3A_31 {strides = array<i32>} : memref<1x384xf32, #tpu.memory_space<vmem>>, vector<1x384xf32>,
    %argmax3A = tpu.reduce_index %add3A_18 {axis = 1 : i32, kind = #tpu.reduction_kind<arg_max>} : vector<1024x384xf32> -> vector<1024xi32>
    %swap3A_34 = arith.constant 0 : index
    %swap3A_35 = vector.load %arg10[%swap3A_34] : memref<1024xi32, #tpu.memory_space<vmem>>, vector<1024xi32>
    tpu.vector_store %arg10[%swap3A_34], %argmax3A {strides = array<i32>} : memref<1024xi32, #tpu.memory_space<vmem>>, vector<1024xi32>,
    %iota3A = tpu.iota {dimensions = array<i32: 1>} : vector<1024x384xi32>
    %broadcast_in_dim3A_36 = vector.shape_cast %argmax3A : vector<1024xi32> to vector<1024x1xi32>
    %eq3A_37 = vector.broadcast %broadcast_in_dim3A_36 : vector<1024x1xi32> to vector<1024x384xi32>
    %eq3A_38 = arith.cmpi eq, %iota3A, %eq3A_37 : vector<1024x384xi32>
    %convert_element_type3A_39 = arith.extui %eq3A_38 : vector<1024x384xi1> to vector<1024x384xi32>
    %convert_element_type3A_40 = arith.sitofp %convert_element_type3A_39 : vector<1024x384xi32> to vector<1024x384xf32>
    %get3A_41 = arith.constant 0 : index
    %get3A_42 = arith.constant 0 : index
    %get3A_43 = vector.load %arg26[%get3A_41, %get3A_42] : memref<1x384xf32, #tpu.memory_space<vmem>>, vector<1x384xf32>
    %reduce_sum3A_44 = arith.constant dense<0.000000e+00> : vector<384xf32>
    %reduce_sum3A_45 = vector.multi_reduction <add>, %convert_element_type3A_40, %reduce_sum3A_44 [0] : vector<1024x384xf32> to vector<384xf32>
    %broadcast_in_dim3A_46 = vector.shape_cast %reduce_sum3A_45 : vector<384xf32> to vector<1x384xf32>
    %add3A_47 = arith.addf %get3A_43, %broadcast_in_dim3A_46 : vector<1x384xf32>
    %swap3A_48 = arith.constant 0 : index
    %swap3A_49 = arith.constant 0 : index
    %swap3A_50 = vector.load %arg26[%swap3A_48, %swap3A_49] : memref<1x384xf32, #tpu.memory_space<vmem>>, vector<1x384xf32>
    tpu.vector_store %arg26[%swap3A_48, %swap3A_49], %add3A_47 {strides = array<i32>} : memref<1x384xf32, #tpu.memory_space<vmem>>, vector<1x384xf32>,
    %get3A_51 = arith.constant 0 : index
    %get3A_52 = arith.constant 0 : index
    %get3A_53 = vector.load %arg28[%get3A_51, %get3A_52] : memref<1x384xf32, #tpu.memory_space<vmem>>, vector<1x384xf32>
    %reduce_sum3A_54 = arith.constant dense<0.000000e+00> : vector<384xf32>
    %reduce_sum3A_55 = vector.multi_reduction <add>, %add3A_18, %reduce_sum3A_54 [0] : vector<1024x384xf32> to vector<384xf32>
    %broadcast_in_dim3A_56 = vector.shape_cast %reduce_sum3A_55 : vector<384xf32> to vector<1x384xf32>
    %add3A_57 = arith.addf %get3A_53, %broadcast_in_dim3A_56 : vector<1x384xf32>
    %swap3A_58 = arith.constant 0 : index
    %swap3A_59 = arith.constant 0 : index
    %swap3A_60 = vector.load %arg28[%swap3A_58, %swap3A_59] : memref<1x384xf32, #tpu.memory_space<vmem>>, vector<1x384xf32>
    tpu.vector_store %arg28[%swap3A_58, %swap3A_59], %add3A_57 {strides = array<i32>} : memref<1x384xf32, #tpu.memory_space<vmem>>, vector<1x384xf32>,
    %slice3A_61 = vector.extract_strided_slice %dot_general3A_7 {offsets = [0, 384], sizes = [1024, 384], strides = [1, 1]} : vector<1024x768xf32> to vector<1024x384xf32>
    %get3A_62 = arith.constant 1 : index
    %get3A_63 = arith.constant 0 : index
    %get3A_64 = vector.load %arg22[%get3A_62, %get3A_63] : memref<2x384xf32, #tpu.memory_space<vmem>>, vector<1x384xf32>
    %get3A_65 = vector.shape_cast %get3A_64 : vector<1x384xf32> to vector<384xf32>
    %broadcast_in_dim3A_66 = vector.shape_cast %get3A_65 : vector<384xf32> to vector<1x384xf32>
    %mul3A_67 = vector.broadcast %broadcast_in_dim3A_66 : vector<1x384xf32> to vector<1024x384xf32>
    %mul3A_68 = arith.mulf %slice3A_61, %mul3A_67 : vector<1024x384xf32>
    %get3A_69 = arith.constant 1 : index
    %get3A_70 = arith.constant 0 : index
    %get3A_71 = vector.load %arg23[%get3A_69, %get3A_70] : memref<2x384xf32, #tpu.memory_space<vmem>>, vector<1x384xf32>
    %get3A_72 = vector.shape_cast %get3A_71 : vector<1x384xf32> to vector<384xf32>
    %broadcast_in_dim3A_73 = vector.shape_cast %get3A_72 : vector<384xf32> to vector<1x384xf32>
    %add3A_74 = vector.broadcast %broadcast_in_dim3A_73 : vector<1x384xf32> to vector<1024x384xf32>
    %add3A_75 = arith.addf %mul3A_68, %add3A_74 : vector<1024x384xf32>
    %reduce_max3A_76 = arith.constant dense<0xFF800000> : vector<1024xf32>
    %reduce_max3A_77 = vector.multi_reduction <maximumf>, %add3A_75, %reduce_max3A_76 [1] : vector<1024x384xf32> to vector<1024xf32>
    %broadcast_in_dim3A_78 = vector.shape_cast %reduce_max3A_77 : vector<1024xf32> to vector<1024x1xf32>
    %sub3A_79 = vector.broadcast %broadcast_in_dim3A_78 : vector<1024x1xf32> to vector<1024x384xf32>
    %sub3A_80 = arith.subf %add3A_75, %sub3A_79 : vector<1024x384xf32>
    %exp3A_81 = math.exp %sub3A_80 : vector<1024x384xf32>
    %reduce_sum3A_82 = arith.constant dense<0.000000e+00> : vector<1024xf32>
    %reduce_sum3A_83 = vector.multi_reduction <add>, %exp3A_81, %reduce_sum3A_82 [1] : vector<1024x384xf32> to vector<1024xf32>
    %broadcast_in_dim3A_84 = vector.shape_cast %reduce_sum3A_83 : vector<1024xf32> to vector<1024x1xf32>
    %div3A_85 = vector.broadcast %broadcast_in_dim3A_84 : vector<1024x1xf32> to vector<1024x384xf32>
    %div3A_86 = arith.divf %exp3A_81, %div3A_85 : vector<1024x384xf32>
    %get3A_87 = arith.constant 0 : index
    %get3A_88 = arith.constant 0 : index
    %get3A_89 = vector.load %arg25[%get3A_87, %get3A_88] : memref<1x384xf32, #tpu.memory_space<vmem>>, vector<1x384xf32>
    %reduce_sum3A_90 = arith.constant dense<0.000000e+00> : vector<384xf32>
    %reduce_sum3A_91 = vector.multi_reduction <add>, %div3A_86, %reduce_sum3A_90 [0] : vector<1024x384xf32> to vector<384xf32>
    %broadcast_in_dim3A_92 = vector.shape_cast %reduce_sum3A_91 : vector<384xf32> to vector<1x384xf32>
    %add3A_93 = arith.addf %get3A_89, %broadcast_in_dim3A_92 : vector<1x384xf32>
    %swap3A_94 = arith.constant 0 : index
    %swap3A_95 = arith.constant 0 : index
    %swap3A_96 = vector.load %arg25[%swap3A_94, %swap3A_95] : memref<1x384xf32, #tpu.memory_space<vmem>>, vector<1x384xf32>
    tpu.vector_store %arg25[%swap3A_94, %swap3A_95], %add3A_93 {strides = array<i32>} : memref<1x384xf32, #tpu.memory_space<vmem>>, vector<1x384xf32>,
    %argmax3A_97 = tpu.reduce_index %add3A_75 {axis = 1 : i32, kind = #tpu.reduction_kind<arg_max>} : vector<1024x384xf32> -> vector<1024xi32>
    %swap3A_98 = arith.constant 0 : index
    %swap3A_99 = vector.load %arg11[%swap3A_98] : memref<1024xi32, #tpu.memory_space<vmem>>, vector<1024xi32>
    tpu.vector_store %arg11[%swap3A_98], %argmax3A_97 {strides = array<i32>} : memref<1024xi32, #tpu.memory_space<vmem>>, vector<1024xi32>,
    %iota3A_100 = tpu.iota {dimensions = array<i32: 1>} : vector<1024x384xi32>
    %broadcast_in_dim3A_101 = vector.shape_cast %argmax3A_97 : vector<1024xi32> to vector<1024x1xi32>
    %eq3A_102 = vector.broadcast %broadcast_in_dim3A_101 : vector<1024x1xi32> to vector<1024x384xi32>
    %eq3A_103 = arith.cmpi eq, %iota3A_100, %eq3A_102 : vector<1024x384xi32>
    %convert_element_type3A_104 = arith.extui %eq3A_103 : vector<1024x384xi1> to vector<1024x384xi32>
    %convert_element_type3A_105 = arith.sitofp %convert_element_type3A_104 : vector<1024x384xi32> to vector<1024x384xf32>
    %get3A_106 = arith.constant 0 : index
    %get3A_107 = arith.constant 0 : index
    %get3A_108 = vector.load %arg27[%get3A_106, %get3A_107] : memref<1x384xf32, #tpu.memory_space<vmem>>, vector<1x384xf32>
    %reduce_sum3A_109 = arith.constant dense<0.000000e+00> : vector<384xf32>
    %reduce_sum3A_110 = vector.multi_reduction <add>, %convert_element_type3A_105, %reduce_sum3A_109 [0] : vector<1024x384xf32> to vector<384xf32>
    %broadcast_in_dim3A_111 = vector.shape_cast %reduce_sum3A_110 : vector<384xf32> to vector<1x384xf32>
    %add3A_112 = arith.addf %get3A_108, %broadcast_in_dim3A_111 : vector<1x384xf32>
    %swap3A_113 = arith.constant 0 : index
    %swap3A_114 = arith.constant 0 : index
    %swap3A_115 = vector.load %arg27[%swap3A_113, %swap3A_114] : memref<1x384xf32, #tpu.memory_space<vmem>>, vector<1x384xf32>
    tpu.vector_store %arg27[%swap3A_113, %swap3A_114], %add3A_112 {strides = array<i32>} : memref<1x384xf32, #tpu.memory_space<vmem>>, vector<1x384xf32>,
    %get3A_116 = arith.constant 0 : index
    %get3A_117 = arith.constant 0 : index
    %get3A_118 = vector.load %arg29[%get3A_116, %get3A_117] : memref<1x384xf32, #tpu.memory_space<vmem>>, vector<1x384xf32>
    %reduce_sum3A_119 = arith.constant dense<0.000000e+00> : vector<384xf32>
    %reduce_sum3A_120 = vector.multi_reduction <add>, %add3A_75, %reduce_sum3A_119 [0] : vector<1024x384xf32> to vector<384xf32>
    %broadcast_in_dim3A_121 = vector.shape_cast %reduce_sum3A_120 : vector<384xf32> to vector<1x384xf32>
    %add3A_122 = arith.addf %get3A_118, %broadcast_in_dim3A_121 : vector<1x384xf32>
    %swap3A_123 = arith.constant 0 : index
    %swap3A_124 = arith.constant 0 : index
    %swap3A_125 = vector.load %arg29[%swap3A_123, %swap3A_124] : memref<1x384xf32, #tpu.memory_space<vmem>>, vector<1x384xf32>
    tpu.vector_store %arg29[%swap3A_123, %swap3A_124], %add3A_122 {strides = array<i32>} : memref<1x384xf32, #tpu.memory_space<vmem>>, vector<1x384xf32>,
    %eq3A_126 = arith.constant 1 : i32
    %eq3A_127 = arith.cmpi eq, %arg0, %eq3A_126 : i32
    %convert_element_type3A_128 = arith.extui %eq3A_127 : i1 to i32
    %cond3A_129 = arith.constant 0 : i32
    %cond3A_130 = arith.cmpi ne, %convert_element_type3A_128, %cond3A_129 : i32
    scf.if %cond3A_130 {
      %get3A_136 = arith.constant 0 : index
      %get3A_137 = arith.constant 0 : index
      %get3A_138 = vector.load %arg24[%get3A_136, %get3A_137] : memref<1x384xf32, #tpu.memory_space<vmem>>, vector<1x384xf32>
      %swap3A_139 = arith.constant 0 : index
      %swap3A_140 = arith.constant 0 : index
      %swap3A_141 = vector.load %arg12[%swap3A_139, %swap3A_140] : memref<1x384xf32, #tpu.memory_space<vmem>>, vector<1x384xf32>
      tpu.vector_store %arg12[%swap3A_139, %swap3A_140], %get3A_138 {strides = array<i32>} : memref<1x384xf32, #tpu.memory_space<vmem>>, vector<1x384xf32>,
      %get3A_142 = arith.constant 0 : index
      %get3A_143 = arith.constant 0 : index
      %get3A_144 = vector.load %arg25[%get3A_142, %get3A_143] : memref<1x384xf32, #tpu.memory_space<vmem>>, vector<1x384xf32>
      %swap3A_145 = arith.constant 0 : index
      %swap3A_146 = arith.constant 0 : index
      %swap3A_147 = vector.load %arg13[%swap3A_145, %swap3A_146] : memref<1x384xf32, #tpu.memory_space<vmem>>, vector<1x384xf32>
      tpu.vector_store %arg13[%swap3A_145, %swap3A_146], %get3A_144 {strides = array<i32>} : memref<1x384xf32, #tpu.memory_space<vmem>>, vector<1x384xf32>,
      %get3A_148 = arith.constant 0 : index
      %get3A_149 = arith.constant 0 : index
      %get3A_150 = vector.load %arg26[%get3A_148, %get3A_149] : memref<1x384xf32, #tpu.memory_space<vmem>>, vector<1x384xf32>
      %swap3A_151 = arith.constant 0 : index
      %swap3A_152 = arith.constant 0 : index
      %swap3A_153 = vector.load %arg14[%swap3A_151, %swap3A_152] : memref<1x384xf32, #tpu.memory_space<vmem>>, vector<1x384xf32>
      tpu.vector_store %arg14[%swap3A_151, %swap3A_152], %get3A_150 {strides = array<i32>} : memref<1x384xf32, #tpu.memory_space<vmem>>, vector<1x384xf32>,
      %get3A_154 = arith.constant 0 : index
      %get3A_155 = arith.constant 0 : index
      %get3A_156 = vector.load %arg27[%get3A_154, %get3A_155] : memref<1x384xf32, #tpu.memory_space<vmem>>, vector<1x384xf32>
      %swap3A_157 = arith.constant 0 : index
      %swap3A_158 = arith.constant 0 : index
      %swap3A_159 = vector.load %arg15[%swap3A_157, %swap3A_158] : memref<1x384xf32, #tpu.memory_space<vmem>>, vector<1x384xf32>
      tpu.vector_store %arg15[%swap3A_157, %swap3A_158], %get3A_156 {strides = array<i32>} : memref<1x384xf32, #tpu.memory_space<vmem>>, vector<1x384xf32>,
      %get3A_160 = arith.constant 0 : index
      %get3A_161 = arith.constant 0 : index
      %get3A_162 = vector.load %arg28[%get3A_160, %get3A_161] : memref<1x384xf32, #tpu.memory_space<vmem>>, vector<1x384xf32>
      %swap3A_163 = arith.constant 0 : index
      %swap3A_164 = arith.constant 0 : index
      %swap3A_165 = vector.load %arg16[%swap3A_163, %swap3A_164] : memref<1x384xf32, #tpu.memory_space<vmem>>, vector<1x384xf32>
      tpu.vector_store %arg16[%swap3A_163, %swap3A_164], %get3A_162 {strides = array<i32>} : memref<1x384xf32, #tpu.memory_space<vmem>>, vector<1x384xf32>,
      %get3A_166 = arith.constant 0 : index
      %get3A_167 = arith.constant 0 : index
      %get3A_168 = vector.load %arg29[%get3A_166, %get3A_167] : memref<1x384xf32, #tpu.memory_space<vmem>>, vector<1x384xf32>
      %swap3A_169 = arith.constant 0 : index
      %swap3A_170 = arith.constant 0 : index
      %swap3A_171 = vector.load %arg17[%swap3A_169, %swap3A_170] : memref<1x384xf32, #tpu.memory_space<vmem>>, vector<1x384xf32>
      tpu.vector_store %arg17[%swap3A_169, %swap3A_170], %get3A_168 {strides = array<i32>} : memref<1x384xf32, #tpu.memory_space<vmem>>, vector<1x384xf32>,
    } else {
    }
    %eq3A_131 = arith.constant 1 : i32
    %eq3A_132 = arith.cmpi eq, %arg0, %eq3A_131 : i32
    %convert_element_type3A_133 = arith.extui %eq3A_132 : i1 to i32
    %cond3A_134 = arith.constant 0 : i32
    %cond3A_135 = arith.cmpi ne, %convert_element_type3A_133, %cond3A_134 : i32
    scf.if %cond3A_135 {
      %get3A_136 = arith.constant 0 : index
      %get3A_137 = arith.constant 0 : index
      %get3A_138 = vector.load %arg24[%get3A_136, %get3A_137] : memref<1x384xf32, #tpu.memory_space<vmem>>, vector<1x384xf32>
      %mul3A_139 = arith.constant 1.22070313E-4 : f32
      %mul3A_140 = vector.broadcast %mul3A_139 : f32 to vector<1x384xf32>
      %mul3A_141 = arith.mulf %get3A_138, %mul3A_140 : vector<1x384xf32>
      %add3A_142 = arith.constant 1.000000e-07 : f32
      %add3A_143 = vector.broadcast %add3A_142 : f32 to vector<1x384xf32>
      %add3A_144 = arith.addf %mul3A_141, %add3A_143 : vector<1x384xf32>
      %log3A = math.log %add3A_144 : vector<1x384xf32>
      %mul3A_145 = arith.mulf %mul3A_141, %log3A : vector<1x384xf32>
      %reduce_sum3A_146 = vector.shape_cast %mul3A_145 : vector<1x384xf32> to vector<1x1x384xf32>
      %reduce_sum3A_147 = arith.constant dense<0.000000e+00> : vector<1xf32>
      %reduce_sum3A_148 = vector.multi_reduction <add>, %reduce_sum3A_146, %reduce_sum3A_147 [1, 2] : vector<1x1x384xf32> to vector<1xf32>
      %reduce_sum3A_149 = vector.shape_cast %reduce_sum3A_148 : vector<1xf32> to vector<1x1x1xf32>
      %reduce_sum3A_150 = vector.extract %reduce_sum3A_149[0, 0, 0] : f32 from vector<1x1x1xf32>
      %neg3A = arith.constant 0.000000e+00 : f32
      %neg3A_151 = arith.subf %neg3A, %reduce_sum3A_150 : f32
      %exp3A_152 = math.exp %neg3A_151 : f32
      %add3A_153 = arith.constant 0.000000e+00 : f32
      %add3A_154 = arith.addf %add3A_153, %exp3A_152 : f32
      %get3A_155 = arith.constant 0 : index
      %get3A_156 = arith.constant 0 : index
      %get3A_157 = vector.load %arg26[%get3A_155, %get3A_156] : memref<1x384xf32, #tpu.memory_space<vmem>>, vector<1x384xf32>
      %mul3A_158 = arith.constant 1.22070313E-4 : f32
      %mul3A_159 = vector.broadcast %mul3A_158 : f32 to vector<1x384xf32>
      %mul3A_160 = arith.mulf %get3A_157, %mul3A_159 : vector<1x384xf32>
      %add3A_161 = arith.constant 1.000000e-07 : f32
      %add3A_162 = vector.broadcast %add3A_161 : f32 to vector<1x384xf32>
      %add3A_163 = arith.addf %mul3A_160, %add3A_162 : vector<1x384xf32>
      %log3A_164 = math.log %add3A_163 : vector<1x384xf32>
      %mul3A_165 = arith.mulf %mul3A_160, %log3A_164 : vector<1x384xf32>
      %reduce_sum3A_166 = vector.shape_cast %mul3A_165 : vector<1x384xf32> to vector<1x1x384xf32>
      %reduce_sum3A_167 = arith.constant dense<0.000000e+00> : vector<1xf32>
      %reduce_sum3A_168 = vector.multi_reduction <add>, %reduce_sum3A_166, %reduce_sum3A_167 [1, 2] : vector<1x1x384xf32> to vector<1xf32>
      %reduce_sum3A_169 = vector.shape_cast %reduce_sum3A_168 : vector<1xf32> to vector<1x1x1xf32>
      %reduce_sum3A_170 = vector.extract %reduce_sum3A_169[0, 0, 0] : f32 from vector<1x1x1xf32>
      %neg3A_171 = arith.constant 0.000000e+00 : f32
      %neg3A_172 = arith.subf %neg3A_171, %reduce_sum3A_170 : f32
      %exp3A_173 = math.exp %neg3A_172 : f32
      %add3A_174 = arith.constant 0.000000e+00 : f32
      %add3A_175 = arith.addf %add3A_174, %exp3A_173 : f32
      %get3A_176 = arith.constant 0 : index
      %get3A_177 = arith.constant 0 : index
      %get3A_178 = vector.load %arg25[%get3A_176, %get3A_177] : memref<1x384xf32, #tpu.memory_space<vmem>>, vector<1x384xf32>
      %mul3A_179 = arith.constant 1.22070313E-4 : f32
      %mul3A_180 = vector.broadcast %mul3A_179 : f32 to vector<1x384xf32>
      %mul3A_181 = arith.mulf %get3A_178, %mul3A_180 : vector<1x384xf32>
      %add3A_182 = arith.constant 1.000000e-07 : f32
      %add3A_183 = vector.broadcast %add3A_182 : f32 to vector<1x384xf32>
      %add3A_184 = arith.addf %mul3A_181, %add3A_183 : vector<1x384xf32>
      %log3A_185 = math.log %add3A_184 : vector<1x384xf32>
      %mul3A_186 = arith.mulf %mul3A_181, %log3A_185 : vector<1x384xf32>
      %reduce_sum3A_187 = vector.shape_cast %mul3A_186 : vector<1x384xf32> to vector<1x1x384xf32>
      %reduce_sum3A_188 = arith.constant dense<0.000000e+00> : vector<1xf32>
      %reduce_sum3A_189 = vector.multi_reduction <add>, %reduce_sum3A_187, %reduce_sum3A_188 [1, 2] : vector<1x1x384xf32> to vector<1xf32>
      %reduce_sum3A_190 = vector.shape_cast %reduce_sum3A_189 : vector<1xf32> to vector<1x1x1xf32>
      %reduce_sum3A_191 = vector.extract %reduce_sum3A_190[0, 0, 0] : f32 from vector<1x1x1xf32>
      %neg3A_192 = arith.constant 0.000000e+00 : f32
      %neg3A_193 = arith.subf %neg3A_192, %reduce_sum3A_191 : f32
      %exp3A_194 = math.exp %neg3A_193 : f32
      %add3A_195 = arith.addf %add3A_154, %exp3A_194 : f32
      %get3A_196 = arith.constant 0 : index
      %get3A_197 = arith.constant 0 : index
      %get3A_198 = vector.load %arg27[%get3A_196, %get3A_197] : memref<1x384xf32, #tpu.memory_space<vmem>>, vector<1x384xf32>
      %mul3A_199 = arith.constant 1.22070313E-4 : f32
      %mul3A_200 = vector.broadcast %mul3A_199 : f32 to vector<1x384xf32>
      %mul3A_201 = arith.mulf %get3A_198, %mul3A_200 : vector<1x384xf32>
      %add3A_202 = arith.constant 1.000000e-07 : f32
      %add3A_203 = vector.broadcast %add3A_202 : f32 to vector<1x384xf32>
      %add3A_204 = arith.addf %mul3A_201, %add3A_203 : vector<1x384xf32>
      %log3A_205 = math.log %add3A_204 : vector<1x384xf32>
      %mul3A_206 = arith.mulf %mul3A_201, %log3A_205 : vector<1x384xf32>
      %reduce_sum3A_207 = vector.shape_cast %mul3A_206 : vector<1x384xf32> to vector<1x1x384xf32>
      %reduce_sum3A_208 = arith.constant dense<0.000000e+00> : vector<1xf32>
      %reduce_sum3A_209 = vector.multi_reduction <add>, %reduce_sum3A_207, %reduce_sum3A_208 [1, 2] : vector<1x1x384xf32> to vector<1xf32>
      %reduce_sum3A_210 = vector.shape_cast %reduce_sum3A_209 : vector<1xf32> to vector<1x1x1xf32>
      %reduce_sum3A_211 = vector.extract %reduce_sum3A_210[0, 0, 0] : f32 from vector<1x1x1xf32>
      %neg3A_212 = arith.constant 0.000000e+00 : f32
      %neg3A_213 = arith.subf %neg3A_212, %reduce_sum3A_211 : f32
      %exp3A_214 = math.exp %neg3A_213 : f32
      %add3A_215 = arith.addf %add3A_175, %exp3A_214 : f32
      %get3A_216 = arith.constant 0 : index
      %get3A_217 = arith.constant 0 : index
      %get3A_218 = vector.load %arg28[%get3A_216, %get3A_217] : memref<1x384xf32, #tpu.memory_space<vmem>>, vector<1x384xf32>
      %mul3A_219 = arith.constant 1.22070313E-4 : f32
      %mul3A_220 = vector.broadcast %mul3A_219 : f32 to vector<1x384xf32>
      %mul3A_221 = arith.mulf %get3A_218, %mul3A_220 : vector<1x384xf32>
      %get3A_222 = arith.constant 0 : index
      %get3A_223 = arith.constant 0 : index
      %get3A_224 = vector.load %arg29[%get3A_222, %get3A_223] : memref<1x384xf32, #tpu.memory_space<vmem>>, vector<1x384xf32>
      %mul3A_225 = arith.constant 1.22070313E-4 : f32
      %mul3A_226 = vector.broadcast %mul3A_225 : f32 to vector<1x384xf32>
      %mul3A_227 = arith.mulf %get3A_224, %mul3A_226 : vector<1x384xf32>
      %reduce_max3A_228 = vector.shape_cast %mul3A_221 : vector<1x384xf32> to vector<1x1x384xf32>
      %reduce_max3A_229 = arith.constant dense<0xFF800000> : vector<1xf32>
      %reduce_max3A_230 = vector.multi_reduction <maximumf>, %reduce_max3A_228, %reduce_max3A_229 [1, 2] : vector<1x1x384xf32> to vector<1xf32>
      %reduce_max3A_231 = vector.shape_cast %reduce_max3A_230 : vector<1xf32> to vector<1x1x1xf32>
      %reduce_max3A_232 = vector.extract %reduce_max3A_231[0, 0, 0] : f32 from vector<1x1x1xf32>
      %reduce_max3A_233 = vector.shape_cast %mul3A_227 : vector<1x384xf32> to vector<1x1x384xf32>
      %reduce_max3A_234 = arith.constant dense<0xFF800000> : vector<1xf32>
      %reduce_max3A_235 = vector.multi_reduction <maximumf>, %reduce_max3A_233, %reduce_max3A_234 [1, 2] : vector<1x1x384xf32> to vector<1xf32>
      %reduce_max3A_236 = vector.shape_cast %reduce_max3A_235 : vector<1xf32> to vector<1x1x1xf32>
      %reduce_max3A_237 = vector.extract %reduce_max3A_236[0, 0, 0] : f32 from vector<1x1x1xf32>
      %max3A = arith.maximumf %reduce_max3A_232, %reduce_max3A_237 : f32
      %sub3A_238 = vector.broadcast %max3A : f32 to vector<1x384xf32>
      %sub3A_239 = arith.subf %mul3A_221, %sub3A_238 : vector<1x384xf32>
      %exp3A_240 = math.exp %sub3A_239 : vector<1x384xf32>
      %sub3A_241 = vector.broadcast %max3A : f32 to vector<1x384xf32>
      %sub3A_242 = arith.subf %mul3A_227, %sub3A_241 : vector<1x384xf32>
      %exp3A_243 = math.exp %sub3A_242 : vector<1x384xf32>
      %reduce_sum3A_244 = vector.shape_cast %exp3A_240 : vector<1x384xf32> to vector<1x1x384xf32>
      %reduce_sum3A_245 = arith.constant dense<0.000000e+00> : vector<1xf32>
      %reduce_sum3A_246 = vector.multi_reduction <add>, %reduce_sum3A_244, %reduce_sum3A_245 [1, 2] : vector<1x1x384xf32> to vector<1xf32>
      %reduce_sum3A_247 = vector.shape_cast %reduce_sum3A_246 : vector<1xf32> to vector<1x1x1xf32>
      %reduce_sum3A_248 = vector.extract %reduce_sum3A_247[0, 0, 0] : f32 from vector<1x1x1xf32>
      %reduce_sum3A_249 = vector.shape_cast %exp3A_243 : vector<1x384xf32> to vector<1x1x384xf32>
      %reduce_sum3A_250 = arith.constant dense<0.000000e+00> : vector<1xf32>
      %reduce_sum3A_251 = vector.multi_reduction <add>, %reduce_sum3A_249, %reduce_sum3A_250 [1, 2] : vector<1x1x384xf32> to vector<1xf32>
      %reduce_sum3A_252 = vector.shape_cast %reduce_sum3A_251 : vector<1xf32> to vector<1x1x1xf32>
      %reduce_sum3A_253 = vector.extract %reduce_sum3A_252[0, 0, 0] : f32 from vector<1x1x1xf32>
      %add3A_254 = arith.addf %reduce_sum3A_248, %reduce_sum3A_253 : f32
      %log3A_255 = math.log %add3A_254 : f32
      %sub3A_256 = vector.broadcast %max3A : f32 to vector<1x384xf32>
      %sub3A_257 = arith.subf %mul3A_221, %sub3A_256 : vector<1x384xf32>
      %sub3A_258 = vector.broadcast %log3A_255 : f32 to vector<1x384xf32>
      %sub3A_259 = arith.subf %sub3A_257, %sub3A_258 : vector<1x384xf32>
      %mul3A_260 = arith.mulf %exp3A_240, %sub3A_259 : vector<1x384xf32>
      %reduce_sum3A_261 = vector.shape_cast %mul3A_260 : vector<1x384xf32> to vector<1x1x384xf32>
      %reduce_sum3A_262 = arith.constant dense<0.000000e+00> : vector<1xf32>
      %reduce_sum3A_263 = vector.multi_reduction <add>, %reduce_sum3A_261, %reduce_sum3A_262 [1, 2] : vector<1x1x384xf32> to vector<1xf32>
      %reduce_sum3A_264 = vector.shape_cast %reduce_sum3A_263 : vector<1xf32> to vector<1x1x1xf32>
      %reduce_sum3A_265 = vector.extract %reduce_sum3A_264[0, 0, 0] : f32 from vector<1x1x1xf32>
      %sub3A_266 = vector.broadcast %max3A : f32 to vector<1x384xf32>
      %sub3A_267 = arith.subf %mul3A_227, %sub3A_266 : vector<1x384xf32>
      %sub3A_268 = vector.broadcast %log3A_255 : f32 to vector<1x384xf32>
      %sub3A_269 = arith.subf %sub3A_267, %sub3A_268 : vector<1x384xf32>
      %mul3A_270 = arith.mulf %exp3A_243, %sub3A_269 : vector<1x384xf32>
      %reduce_sum3A_271 = vector.shape_cast %mul3A_270 : vector<1x384xf32> to vector<1x1x384xf32>
      %reduce_sum3A_272 = arith.constant dense<0.000000e+00> : vector<1xf32>
      %reduce_sum3A_273 = vector.multi_reduction <add>, %reduce_sum3A_271, %reduce_sum3A_272 [1, 2] : vector<1x1x384xf32> to vector<1xf32>
      %reduce_sum3A_274 = vector.shape_cast %reduce_sum3A_273 : vector<1xf32> to vector<1x1x1xf32>
      %reduce_sum3A_275 = vector.extract %reduce_sum3A_274[0, 0, 0] : f32 from vector<1x1x1xf32>
      %add3A_276 = arith.addf %reduce_sum3A_265, %reduce_sum3A_275 : f32
      %div3A_277 = arith.divf %add3A_276, %add3A_254 : f32
      %swap3A_278 = arith.constant 0 : index
      %swap3A_279 = arith.constant 0 : index
      %swap3A_280 = memref.load %arg18[%swap3A_278, %swap3A_279] : memref<1x1xf32, #tpu.memory_space<smem>>
      memref.store %div3A_277, %arg18[%swap3A_278, %swap3A_279] : memref<1x1xf32, #tpu.memory_space<smem>>
      %swap3A_281 = arith.constant 0 : index
      %swap3A_282 = arith.constant 0 : index
      %swap3A_283 = memref.load %arg19[%swap3A_281, %swap3A_282] : memref<1x1xf32, #tpu.memory_space<smem>>
      memref.store %add3A_215, %arg19[%swap3A_281, %swap3A_282] : memref<1x1xf32, #tpu.memory_space<smem>>
      %swap3A_284 = arith.constant 0 : index
      %swap3A_285 = arith.constant 0 : index
      %swap3A_286 = memref.load %arg20[%swap3A_284, %swap3A_285] : memref<1x1xf32, #tpu.memory_space<smem>>
      memref.store %add3A_195, %arg20[%swap3A_284, %swap3A_285] : memref<1x1xf32, #tpu.memory_space<smem>>
    } else {
    }
    return
  }
  func.func @transform_0(%arg0: i32) -> (i32, i32) {
    %add3A = arith.constant 6 : i32
    %add3A_0 = arith.addi %arg0, %add3A : i32
    %c0_i32 = arith.constant 0 : i32
    %c0_i32_1 = arith.constant 0 : i32
    return %add3A_0, %c0_i32 : i32, i32
  }
  func.func @transform_1(%arg0: i32) -> (i32, i32) {
    %c0_i32 = arith.constant 0 : i32
    %c0_i32_0 = arith.constant 0 : i32
    %c0_i32_1 = arith.constant 0 : i32
    return %c0_i32, %c0_i32_0 : i32, i32
  }
  func.func @transform_2(%arg0: i32) -> (i32, i32) {
    %c0_i32 = arith.constant 0 : i32
    %c0_i32_0 = arith.constant 0 : i32
    %c0_i32_1 = arith.constant 0 : i32
    return %c0_i32, %c0_i32_0 : i32, i32
  }
  func.func @transform_3(%arg0: i32) -> (i32, i32) {
    %c0_i32 = arith.constant 0 : i32
    %c0_i32_0 = arith.constant 0 : i32
    %c0_i32_1 = arith.constant 0 : i32
    return %c0_i32, %c0_i32_0 : i32, i32
  }
  func.func @transform_4(%arg0: i32) -> (i32, i32) {
    %c0_i32 = arith.constant 0 : i32
    %c0_i32_0 = arith.constant 0 : i32
    %c0_i32_1 = arith.constant 0 : i32
    return %c0_i32, %c0_i32_0 : i32, i32
  }
  func.func @transform_5(%arg0: i32) -> (i32, i32) {
    %c0_i32 = arith.constant 0 : i32
    %c0_i32_0 = arith.constant 0 : i32
    %c0_i32_1 = arith.constant 0 : i32
    return %c0_i32, %c0_i32_0 : i32, i32
  }
  func.func @transform_6(%arg0: i32) -> (i32, i32) {
    %c0_i32 = arith.constant 0 : i32
    %c0_i32_0 = arith.constant 0 : i32
    %c0_i32_1 = arith.constant 0 : i32
    return %c0_i32, %c0_i32_0 : i32, i32
  }
  func.func @transform_7(%arg0: i32) -> (i32, i32) {
    %c0_i32 = arith.constant 0 : i32
    %c0_i32_0 = arith.constant 0 : i32
    %c0_i32_1 = arith.constant 0 : i32
    return %c0_i32, %c0_i32_0 : i32, i32
  }
  func.func @transform_8(%arg0: i32) -> (i32, i32) {
    %c0_i32 = arith.constant 0 : i32
    %c0_i32_0 = arith.constant 0 : i32
    %c0_i32_1 = arith.constant 0 : i32
    return %c0_i32, %c0_i32_0 : i32, i32
  }
  func.func @transform_9(%arg0: i32) -> i32 {
    %c0_i32 = arith.constant 0 : i32
    return %arg0 : i32
  }
  func.func @transform_10(%arg0: i32) -> i32 {
    %c0_i32 = arith.constant 0 : i32
    return %arg0 : i32
  }
  func.func @transform_11(%arg0: i32) -> (i32, i32) {
    %c0_i32 = arith.constant 0 : i32
    %c0_i32_0 = arith.constant 0 : i32
    %c0_i32_1 = arith.constant 0 : i32
    return %c0_i32, %c0_i32_0 : i32, i32
  }
  func.func @transform_12(%arg0: i32) -> (i32, i32) {
    %c0_i32 = arith.constant 0 : i32
    %c0_i32_0 = arith.constant 0 : i32
    %c0_i32_1 = arith.constant 0 : i32
    return %c0_i32, %c0_i32_0 : i32, i32
  }
  func.func @transform_13(%arg0: i32) -> (i32, i32) {
    %c0_i32 = arith.constant 0 : i32
    %c0_i32_0 = arith.constant 0 : i32
    %c0_i32_1 = arith.constant 0 : i32
    return %c0_i32, %c0_i32_0 : i32, i32
  }
  func.func @transform_14(%arg0: i32) -> (i32, i32) {
    %c0_i32 = arith.constant 0 : i32
    %c0_i32_0 = arith.constant 0 : i32
    %c0_i32_1 = arith.constant 0 : i32
    return %c0_i32, %c0_i32_0 : i32, i32
  }
  func.func @transform_15(%arg0: i32) -> (i32, i32) {
    %c0_i32 = arith.constant 0 : i32
    %c0_i32_0 = arith.constant 0 : i32
    %c0_i32_1 = arith.constant 0 : i32
    return %c0_i32, %c0_i32_0 : i32, i32
  }
  func.func @transform_16(%arg0: i32) -> (i32, i32) {
    %c0_i32 = arith.constant 0 : i32
    %c0_i32_0 = arith.constant 0 : i32
    %c0_i32_1 = arith.constant 0 : i32
    return %c0_i32, %c0_i32_0 : i32, i32
  }
  func.func @transform_17(%arg0: i32) -> (i32, i32) {
    %c0_i32 = arith.constant 0 : i32
    %c0_i32_0 = arith.constant 0 : i32
    %c0_i32_1 = arith.constant 0 : i32
    return %c0_i32, %c0_i32_0 : i32, i32
  }
  func.func @transform_18(%arg0: i32) -> (i32, i32) {
    %c0_i32 = arith.constant 0 : i32
    %c0_i32_0 = arith.constant 0 : i32
    %c0_i32_1 = arith.constant 0 : i32
    return %c0_i32, %c0_i32_0 : i32, i32
  }
  func.func @transform_19(%arg0: i32) -> (i32, i32) {
    %c0_i32 = arith.constant 0 : i32
    %c0_i32_0 = arith.constant 0 : i32
    %c0_i32_1 = arith.constant 0 : i32
    return %c0_i32, %c0_i32_0 : i32, i32
  }
}

module attributes {stable_mosaic.version = 14 : i64} {
  func.func @_tc_body(%arg0: i32, %arg1: memref<1024x1024xf32, #tpu.memory_space<vmem>>, %arg2: memref<640x1024xf32, #tpu.memory_space<vmem>>, %arg3: memref<4x384xf32, #tpu.memory_space<vmem>>, %arg4: memref<1024xi32, #tpu.memory_space<vmem>>, %arg5: memref<1024xi32, #tpu.memory_space<vmem>>, %arg6: memref<1x384xf32, #tpu.memory_space<vmem>>, %arg7: memref<1x384xf32, #tpu.memory_space<vmem>>, %arg8: memref<1x384xf32, #tpu.memory_space<vmem>>, %arg9: memref<1x384xf32, #tpu.memory_space<vmem>>, %arg10: memref<1x384xf32, #tpu.memory_space<vmem>>, %arg11: memref<1x384xf32, #tpu.memory_space<vmem>>, %arg12: memref<768x1024xf32, #tpu.memory_space<vmem>>, %arg13: memref<2x384xf32, #tpu.memory_space<vmem>>, %arg14: memref<2x384xf32, #tpu.memory_space<vmem>>, %arg15: memref<1x384xf32, #tpu.memory_space<vmem>>, %arg16: memref<1x384xf32, #tpu.memory_space<vmem>>, %arg17: memref<1x384xf32, #tpu.memory_space<vmem>>, %arg18: memref<1x384xf32, #tpu.memory_space<vmem>>, %arg19: memref<1x384xf32, #tpu.memory_space<vmem>>, %arg20: memref<1x384xf32, #tpu.memory_space<vmem>>) attributes {dimension_semantics = [#tpu.dimension_semantics<arbitrary>], iteration_bounds = array<i64: 6>, scalar_prefetch = 0 : i64, scratch_operands = 9 : i64, tpu.core_type = #tpu.core_type<tc>, window_params = [{transform_indices = @transform_0, window_bounds = array<i64: 1024, 1024>}, {pipeline_mode = #tpu.pipeline_mode<synchronous>, transform_indices = @transform_1, window_bounds = array<i64: 640, 1024>}, {transform_indices = @transform_2, window_bounds = array<i64: 4, 384>}, {transform_indices = @transform_3, window_bounds = array<i64: 1024>}, {transform_indices = @transform_4, window_bounds = array<i64: 1024>}, {pipeline_mode = #tpu.pipeline_mode<synchronous>, transform_indices = @transform_5, window_bounds = array<i64: 1, 384>}, {pipeline_mode = #tpu.pipeline_mode<synchronous>, transform_indices = @transform_6, window_bounds = array<i64: 1, 384>}, {pipeline_mode = #tpu.pipeline_mode<synchronous>, transform_indices = @transform_7, window_bounds = array<i64: 1, 384>}, {pipeline_mode = #tpu.pipeline_mode<synchronous>, transform_indices = @transform_8, window_bounds = array<i64: 1, 384>}, {pipeline_mode = #tpu.pipeline_mode<synchronous>, transform_indices = @transform_9, window_bounds = array<i64: 1, 384>}, {pipeline_mode = #tpu.pipeline_mode<synchronous>, transform_indices = @transform_10, window_bounds = array<i64: 1, 384>}]} {
    %eq3A = arith.constant 0 : i32
    %eq3A_0 = arith.cmpi eq, %arg0, %eq3A : i32
    %convert_element_type3A = arith.extui %eq3A_0 : i1 to i32
    %cond3A = arith.constant 0 : i32
    %cond3A_1 = arith.cmpi ne, %convert_element_type3A, %cond3A : i32
    scf.if %cond3A_1 {
      %broadcast_in_dim3A_131 = arith.constant 0.000000e+00 : f32
      %broadcast_in_dim3A_132 = vector.broadcast %broadcast_in_dim3A_131 : f32 to vector<1x384xf32>
      %swap3A_133 = arith.constant 0 : index
      %swap3A_134 = arith.constant 0 : index
      %swap3A_135 = vector.load %arg15[%swap3A_133, %swap3A_134] : memref<1x384xf32, #tpu.memory_space<vmem>>, vector<1x384xf32>
      tpu.vector_store %arg15[%swap3A_133, %swap3A_134], %broadcast_in_dim3A_132 {strides = array<i32>} : memref<1x384xf32, #tpu.memory_space<vmem>>, vector<1x384xf32>,
      %broadcast_in_dim3A_136 = arith.constant 0.000000e+00 : f32
      %broadcast_in_dim3A_137 = vector.broadcast %broadcast_in_dim3A_136 : f32 to vector<1x384xf32>
      %swap3A_138 = arith.constant 0 : index
      %swap3A_139 = arith.constant 0 : index
      %swap3A_140 = vector.load %arg16[%swap3A_138, %swap3A_139] : memref<1x384xf32, #tpu.memory_space<vmem>>, vector<1x384xf32>
      tpu.vector_store %arg16[%swap3A_138, %swap3A_139], %broadcast_in_dim3A_137 {strides = array<i32>} : memref<1x384xf32, #tpu.memory_space<vmem>>, vector<1x384xf32>,
      %broadcast_in_dim3A_141 = arith.constant 0.000000e+00 : f32
      %broadcast_in_dim3A_142 = vector.broadcast %broadcast_in_dim3A_141 : f32 to vector<1x384xf32>
      %swap3A_143 = arith.constant 0 : index
      %swap3A_144 = arith.constant 0 : index
      %swap3A_145 = vector.load %arg17[%swap3A_143, %swap3A_144] : memref<1x384xf32, #tpu.memory_space<vmem>>, vector<1x384xf32>
      tpu.vector_store %arg17[%swap3A_143, %swap3A_144], %broadcast_in_dim3A_142 {strides = array<i32>} : memref<1x384xf32, #tpu.memory_space<vmem>>, vector<1x384xf32>,
      %broadcast_in_dim3A_146 = arith.constant 0.000000e+00 : f32
      %broadcast_in_dim3A_147 = vector.broadcast %broadcast_in_dim3A_146 : f32 to vector<1x384xf32>
      %swap3A_148 = arith.constant 0 : index
      %swap3A_149 = arith.constant 0 : index
      %swap3A_150 = vector.load %arg18[%swap3A_148, %swap3A_149] : memref<1x384xf32, #tpu.memory_space<vmem>>, vector<1x384xf32>
      tpu.vector_store %arg18[%swap3A_148, %swap3A_149], %broadcast_in_dim3A_147 {strides = array<i32>} : memref<1x384xf32, #tpu.memory_space<vmem>>, vector<1x384xf32>,
      %broadcast_in_dim3A_151 = arith.constant 0.000000e+00 : f32
      %broadcast_in_dim3A_152 = vector.broadcast %broadcast_in_dim3A_151 : f32 to vector<1x384xf32>
      %swap3A_153 = arith.constant 0 : index
      %swap3A_154 = arith.constant 0 : index
      %swap3A_155 = vector.load %arg19[%swap3A_153, %swap3A_154] : memref<1x384xf32, #tpu.memory_space<vmem>>, vector<1x384xf32>
      tpu.vector_store %arg19[%swap3A_153, %swap3A_154], %broadcast_in_dim3A_152 {strides = array<i32>} : memref<1x384xf32, #tpu.memory_space<vmem>>, vector<1x384xf32>,
      %broadcast_in_dim3A_156 = arith.constant 0.000000e+00 : f32
      %broadcast_in_dim3A_157 = vector.broadcast %broadcast_in_dim3A_156 : f32 to vector<1x384xf32>
      %swap3A_158 = arith.constant 0 : index
      %swap3A_159 = arith.constant 0 : index
      %swap3A_160 = vector.load %arg20[%swap3A_158, %swap3A_159] : memref<1x384xf32, #tpu.memory_space<vmem>>, vector<1x384xf32>
      tpu.vector_store %arg20[%swap3A_158, %swap3A_159], %broadcast_in_dim3A_157 {strides = array<i32>} : memref<1x384xf32, #tpu.memory_space<vmem>>, vector<1x384xf32>,
      %get3A_161 = arith.constant 0 : index
      %get3A_162 = arith.constant 0 : index
      %get3A_163 = vector.load %arg2[%get3A_161, %get3A_162] : memref<640x1024xf32, #tpu.memory_space<vmem>>, vector<320x1024xf32>
      %swap3A_164 = arith.constant 0 : index
      %swap3A_165 = arith.constant 0 : index
      %swap3A_166 = vector.load %arg12[%swap3A_164, %swap3A_165] : memref<768x1024xf32, #tpu.memory_space<vmem>>, vector<320x1024xf32>
      tpu.vector_store %arg12[%swap3A_164, %swap3A_165], %get3A_163 {strides = array<i32>} : memref<768x1024xf32, #tpu.memory_space<vmem>>, vector<320x1024xf32>,
      %broadcast_in_dim3A_167 = arith.constant 0.000000e+00 : f32
      %broadcast_in_dim3A_168 = vector.broadcast %broadcast_in_dim3A_167 : f32 to vector<64x1024xf32>
      %swap3A_169 = arith.constant 320 : index
      %swap3A_170 = arith.constant 0 : index
      %swap3A_171 = vector.load %arg12[%swap3A_169, %swap3A_170] : memref<768x1024xf32, #tpu.memory_space<vmem>>, vector<64x1024xf32>
      tpu.vector_store %arg12[%swap3A_169, %swap3A_170], %broadcast_in_dim3A_168 {strides = array<i32>} : memref<768x1024xf32, #tpu.memory_space<vmem>>, vector<64x1024xf32>,
      %get3A_172 = arith.constant 320 : index
      %get3A_173 = arith.constant 0 : index
      %get3A_174 = vector.load %arg2[%get3A_172, %get3A_173] : memref<640x1024xf32, #tpu.memory_space<vmem>>, vector<320x1024xf32>
      %swap3A_175 = arith.constant 384 : index
      %swap3A_176 = arith.constant 0 : index
      %swap3A_177 = vector.load %arg12[%swap3A_175, %swap3A_176] : memref<768x1024xf32, #tpu.memory_space<vmem>>, vector<320x1024xf32>
      tpu.vector_store %arg12[%swap3A_175, %swap3A_176], %get3A_174 {strides = array<i32>} : memref<768x1024xf32, #tpu.memory_space<vmem>>, vector<320x1024xf32>,
      %broadcast_in_dim3A_178 = arith.constant 0.000000e+00 : f32
      %broadcast_in_dim3A_179 = vector.broadcast %broadcast_in_dim3A_178 : f32 to vector<64x1024xf32>
      %swap3A_180 = arith.constant 704 : index
      %swap3A_181 = arith.constant 0 : index
      %swap3A_182 = vector.load %arg12[%swap3A_180, %swap3A_181] : memref<768x1024xf32, #tpu.memory_space<vmem>>, vector<64x1024xf32>
      tpu.vector_store %arg12[%swap3A_180, %swap3A_181], %broadcast_in_dim3A_179 {strides = array<i32>} : memref<768x1024xf32, #tpu.memory_space<vmem>>, vector<64x1024xf32>,
      %iota3A_183 = tpu.iota {dimensions = array<i32: 1>} : vector<2x384xi32>
      %lt3A = arith.constant 320 : i32
      %lt3A_184 = vector.broadcast %lt3A : i32 to vector<2x384xi32>
      %lt3A_185 = arith.cmpi slt, %iota3A_183, %lt3A_184 : vector<2x384xi32>
      %get3A_186 = arith.constant 0 : index
      %get3A_187 = arith.constant 0 : index
      %get3A_188 = vector.load %arg3[%get3A_186, %get3A_187] : memref<4x384xf32, #tpu.memory_space<vmem>>, vector<2x384xf32>
      %jit3A = arith.constant 0.000000e+00 : f32
      %broadcast_in_dim3A_189 = vector.broadcast %jit3A : f32 to vector<2x384xf32>
      %select_n3A = arith.select %lt3A_185, %get3A_188, %broadcast_in_dim3A_189 : vector<2x384xi1>, vector<2x384xf32>
      %get3A_190 = arith.constant 2 : index
      %get3A_191 = arith.constant 0 : index
      %get3A_192 = vector.load %arg3[%get3A_190, %get3A_191] : memref<4x384xf32, #tpu.memory_space<vmem>>, vector<2x384xf32>
      %reduce_sum3A_193 = vector.shape_cast %select_n3A : vector<2x384xf32> to vector<1x2x384xf32>
      %reduce_sum3A_194 = arith.constant dense<0.000000e+00> : vector<1xf32>
      %reduce_sum3A_195 = vector.multi_reduction <add>, %reduce_sum3A_193, %reduce_sum3A_194 [1, 2] : vector<1x2x384xf32> to vector<1xf32>
      %reduce_sum3A_196 = vector.shape_cast %reduce_sum3A_195 : vector<1xf32> to vector<1x1x1xf32>
      %reduce_sum3A_197 = vector.extract %reduce_sum3A_196[0, 0, 0] : f32 from vector<1x1x1xf32>
      %mul3A_198 = arith.constant 1.562500e-03 : f32
      %mul3A_199 = arith.mulf %reduce_sum3A_197, %mul3A_198 : f32
      %sub3A_200 = vector.broadcast %mul3A_199 : f32 to vector<2x384xf32>
      %sub3A_201 = arith.subf %select_n3A, %sub3A_200 : vector<2x384xf32>
      %mul3A_202 = arith.constant 1.000000e+01 : f32
      %mul3A_203 = vector.broadcast %mul3A_202 : f32 to vector<2x384xf32>
      %mul3A_204 = arith.mulf %mul3A_203, %sub3A_201 : vector<2x384xf32>
      %add3A_205 = arith.constant 1.000000e+00 : f32
      %add3A_206 = vector.broadcast %add3A_205 : f32 to vector<2x384xf32>
      %add3A_207 = arith.addf %add3A_206, %mul3A_204 : vector<2x384xf32>
      %jit3A_208 = arith.constant 1.000000e+00 : f32
      %broadcast_in_dim3A_209 = vector.broadcast %jit3A_208 : f32 to vector<2x384xf32>
      %select_n3A_210 = arith.select %lt3A_185, %add3A_207, %broadcast_in_dim3A_209 : vector<2x384xi1>, vector<2x384xf32>
      %swap3A_211 = arith.constant 0 : index
      %swap3A_212 = arith.constant 0 : index
      %swap3A_213 = vector.load %arg13[%swap3A_211, %swap3A_212] : memref<2x384xf32, #tpu.memory_space<vmem>>, vector<2x384xf32>
      tpu.vector_store %arg13[%swap3A_211, %swap3A_212], %select_n3A_210 {strides = array<i32>} : memref<2x384xf32, #tpu.memory_space<vmem>>, vector<2x384xf32>,
      %mul3A_214 = arith.mulf %get3A_192, %add3A_207 : vector<2x384xf32>
      %jit3A_215 = arith.constant -1.000000e+30 : f32
      %broadcast_in_dim3A_216 = vector.broadcast %jit3A_215 : f32 to vector<2x384xf32>
      %select_n3A_217 = arith.select %lt3A_185, %mul3A_214, %broadcast_in_dim3A_216 : vector<2x384xi1>, vector<2x384xf32>
      %swap3A_218 = arith.constant 0 : index
      %swap3A_219 = arith.constant 0 : index
      %swap3A_220 = vector.load %arg14[%swap3A_218, %swap3A_219] : memref<2x384xf32, #tpu.memory_space<vmem>>, vector<2x384xf32>
      tpu.vector_store %arg14[%swap3A_218, %swap3A_219], %select_n3A_217 {strides = array<i32>} : memref<2x384xf32, #tpu.memory_space<vmem>>, vector<2x384xf32>,
    } else {
    }
    %get3A = arith.constant 0 : index
    %get3A_2 = arith.constant 0 : index
    %get3A_3 = vector.load %arg1[%get3A, %get3A_2] : memref<1024x1024xf32, #tpu.memory_space<vmem>>, vector<1024x1024xf32>
    %get3A_4 = arith.constant 0 : index
    %get3A_5 = arith.constant 0 : index
    %get3A_6 = vector.load %arg12[%get3A_4, %get3A_5] : memref<768x1024xf32, #tpu.memory_space<vmem>>, vector<768x1024xf32>
    %dot_general3A = arith.constant dense<0.000000e+00> : vector<1024x768xf32>
    %dot_general3A_7 = tpu.matmul %get3A_3, %get3A_6, %dot_general3A {dimension_numbers = #tpu.dot_dimension_numbers<[1], [1], [0], [0], [0, 0, 1, 0], [], []>, transpose_lhs_hint = false} : vector<1024x1024xf32>, vector<768x1024xf32>, vector<1024x768xf32> -> vector<1024x768xf32>
    %slice3A = vector.extract_strided_slice %dot_general3A_7 {offsets = [0, 0], sizes = [1024, 384], strides = [1, 1]} : vector<1024x768xf32> to vector<1024x384xf32>
    %get3A_8 = arith.constant 0 : index
    %get3A_9 = arith.constant 0 : index
    %get3A_10 = vector.load %arg13[%get3A_8, %get3A_9] : memref<2x384xf32, #tpu.memory_space<vmem>>, vector<1x384xf32>
    %get3A_11 = vector.shape_cast %get3A_10 : vector<1x384xf32> to vector<384xf32>
    %broadcast_in_dim3A = vector.shape_cast %get3A_11 : vector<384xf32> to vector<1x384xf32>
    %mul3A = vector.broadcast %broadcast_in_dim3A : vector<1x384xf32> to vector<1024x384xf32>
    %mul3A_12 = arith.mulf %slice3A, %mul3A : vector<1024x384xf32>
    %get3A_13 = arith.constant 0 : index
    %get3A_14 = arith.constant 0 : index
    %get3A_15 = vector.load %arg14[%get3A_13, %get3A_14] : memref<2x384xf32, #tpu.memory_space<vmem>>, vector<1x384xf32>
    %get3A_16 = vector.shape_cast %get3A_15 : vector<1x384xf32> to vector<384xf32>
    %broadcast_in_dim3A_17 = vector.shape_cast %get3A_16 : vector<384xf32> to vector<1x384xf32>
    %add3A = vector.broadcast %broadcast_in_dim3A_17 : vector<1x384xf32> to vector<1024x384xf32>
    %add3A_18 = arith.addf %mul3A_12, %add3A : vector<1024x384xf32>
    %reduce_max3A = arith.constant dense<0xFF800000> : vector<1024xf32>
    %reduce_max3A_19 = vector.multi_reduction <maximumf>, %add3A_18, %reduce_max3A [1] : vector<1024x384xf32> to vector<1024xf32>
    %broadcast_in_dim3A_20 = vector.shape_cast %reduce_max3A_19 : vector<1024xf32> to vector<1024x1xf32>
    %sub3A = vector.broadcast %broadcast_in_dim3A_20 : vector<1024x1xf32> to vector<1024x384xf32>
    %sub3A_21 = arith.subf %add3A_18, %sub3A : vector<1024x384xf32>
    %exp3A = math.exp %sub3A_21 : vector<1024x384xf32>
    %reduce_sum3A = arith.constant dense<0.000000e+00> : vector<1024xf32>
    %reduce_sum3A_22 = vector.multi_reduction <add>, %exp3A, %reduce_sum3A [1] : vector<1024x384xf32> to vector<1024xf32>
    %broadcast_in_dim3A_23 = vector.shape_cast %reduce_sum3A_22 : vector<1024xf32> to vector<1024x1xf32>
    %div3A = vector.broadcast %broadcast_in_dim3A_23 : vector<1024x1xf32> to vector<1024x384xf32>
    %div3A_24 = arith.divf %exp3A, %div3A : vector<1024x384xf32>
    %get3A_25 = arith.constant 0 : index
    %get3A_26 = arith.constant 0 : index
    %get3A_27 = vector.load %arg15[%get3A_25, %get3A_26] : memref<1x384xf32, #tpu.memory_space<vmem>>, vector<1x384xf32>
    %reduce_sum3A_28 = arith.constant dense<0.000000e+00> : vector<384xf32>
    %reduce_sum3A_29 = vector.multi_reduction <add>, %div3A_24, %reduce_sum3A_28 [0] : vector<1024x384xf32> to vector<384xf32>
    %broadcast_in_dim3A_30 = vector.shape_cast %reduce_sum3A_29 : vector<384xf32> to vector<1x384xf32>
    %add3A_31 = arith.addf %get3A_27, %broadcast_in_dim3A_30 : vector<1x384xf32>
    %swap3A = arith.constant 0 : index
    %swap3A_32 = arith.constant 0 : index
    %swap3A_33 = vector.load %arg15[%swap3A, %swap3A_32] : memref<1x384xf32, #tpu.memory_space<vmem>>, vector<1x384xf32>
    tpu.vector_store %arg15[%swap3A, %swap3A_32], %add3A_31 {strides = array<i32>} : memref<1x384xf32, #tpu.memory_space<vmem>>, vector<1x384xf32>,
    %argmax3A = tpu.reduce_index %add3A_18 {axis = 1 : i32, kind = #tpu.reduction_kind<arg_max>} : vector<1024x384xf32> -> vector<1024xi32>
    %swap3A_34 = arith.constant 0 : index
    %swap3A_35 = vector.load %arg4[%swap3A_34] : memref<1024xi32, #tpu.memory_space<vmem>>, vector<1024xi32>
    tpu.vector_store %arg4[%swap3A_34], %argmax3A {strides = array<i32>} : memref<1024xi32, #tpu.memory_space<vmem>>, vector<1024xi32>,
    %iota3A = tpu.iota {dimensions = array<i32: 1>} : vector<1024x384xi32>
    %broadcast_in_dim3A_36 = vector.shape_cast %argmax3A : vector<1024xi32> to vector<1024x1xi32>
    %eq3A_37 = vector.broadcast %broadcast_in_dim3A_36 : vector<1024x1xi32> to vector<1024x384xi32>
    %eq3A_38 = arith.cmpi eq, %iota3A, %eq3A_37 : vector<1024x384xi32>
    %convert_element_type3A_39 = arith.extui %eq3A_38 : vector<1024x384xi1> to vector<1024x384xi32>
    %convert_element_type3A_40 = arith.sitofp %convert_element_type3A_39 : vector<1024x384xi32> to vector<1024x384xf32>
    %get3A_41 = arith.constant 0 : index
    %get3A_42 = arith.constant 0 : index
    %get3A_43 = vector.load %arg17[%get3A_41, %get3A_42] : memref<1x384xf32, #tpu.memory_space<vmem>>, vector<1x384xf32>
    %reduce_sum3A_44 = arith.constant dense<0.000000e+00> : vector<384xf32>
    %reduce_sum3A_45 = vector.multi_reduction <add>, %convert_element_type3A_40, %reduce_sum3A_44 [0] : vector<1024x384xf32> to vector<384xf32>
    %broadcast_in_dim3A_46 = vector.shape_cast %reduce_sum3A_45 : vector<384xf32> to vector<1x384xf32>
    %add3A_47 = arith.addf %get3A_43, %broadcast_in_dim3A_46 : vector<1x384xf32>
    %swap3A_48 = arith.constant 0 : index
    %swap3A_49 = arith.constant 0 : index
    %swap3A_50 = vector.load %arg17[%swap3A_48, %swap3A_49] : memref<1x384xf32, #tpu.memory_space<vmem>>, vector<1x384xf32>
    tpu.vector_store %arg17[%swap3A_48, %swap3A_49], %add3A_47 {strides = array<i32>} : memref<1x384xf32, #tpu.memory_space<vmem>>, vector<1x384xf32>,
    %get3A_51 = arith.constant 0 : index
    %get3A_52 = arith.constant 0 : index
    %get3A_53 = vector.load %arg19[%get3A_51, %get3A_52] : memref<1x384xf32, #tpu.memory_space<vmem>>, vector<1x384xf32>
    %reduce_sum3A_54 = arith.constant dense<0.000000e+00> : vector<384xf32>
    %reduce_sum3A_55 = vector.multi_reduction <add>, %add3A_18, %reduce_sum3A_54 [0] : vector<1024x384xf32> to vector<384xf32>
    %broadcast_in_dim3A_56 = vector.shape_cast %reduce_sum3A_55 : vector<384xf32> to vector<1x384xf32>
    %add3A_57 = arith.addf %get3A_53, %broadcast_in_dim3A_56 : vector<1x384xf32>
    %swap3A_58 = arith.constant 0 : index
    %swap3A_59 = arith.constant 0 : index
    %swap3A_60 = vector.load %arg19[%swap3A_58, %swap3A_59] : memref<1x384xf32, #tpu.memory_space<vmem>>, vector<1x384xf32>
    tpu.vector_store %arg19[%swap3A_58, %swap3A_59], %add3A_57 {strides = array<i32>} : memref<1x384xf32, #tpu.memory_space<vmem>>, vector<1x384xf32>,
    %slice3A_61 = vector.extract_strided_slice %dot_general3A_7 {offsets = [0, 384], sizes = [1024, 384], strides = [1, 1]} : vector<1024x768xf32> to vector<1024x384xf32>
    %get3A_62 = arith.constant 1 : index
    %get3A_63 = arith.constant 0 : index
    %get3A_64 = vector.load %arg13[%get3A_62, %get3A_63] : memref<2x384xf32, #tpu.memory_space<vmem>>, vector<1x384xf32>
    %get3A_65 = vector.shape_cast %get3A_64 : vector<1x384xf32> to vector<384xf32>
    %broadcast_in_dim3A_66 = vector.shape_cast %get3A_65 : vector<384xf32> to vector<1x384xf32>
    %mul3A_67 = vector.broadcast %broadcast_in_dim3A_66 : vector<1x384xf32> to vector<1024x384xf32>
    %mul3A_68 = arith.mulf %slice3A_61, %mul3A_67 : vector<1024x384xf32>
    %get3A_69 = arith.constant 1 : index
    %get3A_70 = arith.constant 0 : index
    %get3A_71 = vector.load %arg14[%get3A_69, %get3A_70] : memref<2x384xf32, #tpu.memory_space<vmem>>, vector<1x384xf32>
    %get3A_72 = vector.shape_cast %get3A_71 : vector<1x384xf32> to vector<384xf32>
    %broadcast_in_dim3A_73 = vector.shape_cast %get3A_72 : vector<384xf32> to vector<1x384xf32>
    %add3A_74 = vector.broadcast %broadcast_in_dim3A_73 : vector<1x384xf32> to vector<1024x384xf32>
    %add3A_75 = arith.addf %mul3A_68, %add3A_74 : vector<1024x384xf32>
    %reduce_max3A_76 = arith.constant dense<0xFF800000> : vector<1024xf32>
    %reduce_max3A_77 = vector.multi_reduction <maximumf>, %add3A_75, %reduce_max3A_76 [1] : vector<1024x384xf32> to vector<1024xf32>
    %broadcast_in_dim3A_78 = vector.shape_cast %reduce_max3A_77 : vector<1024xf32> to vector<1024x1xf32>
    %sub3A_79 = vector.broadcast %broadcast_in_dim3A_78 : vector<1024x1xf32> to vector<1024x384xf32>
    %sub3A_80 = arith.subf %add3A_75, %sub3A_79 : vector<1024x384xf32>
    %exp3A_81 = math.exp %sub3A_80 : vector<1024x384xf32>
    %reduce_sum3A_82 = arith.constant dense<0.000000e+00> : vector<1024xf32>
    %reduce_sum3A_83 = vector.multi_reduction <add>, %exp3A_81, %reduce_sum3A_82 [1] : vector<1024x384xf32> to vector<1024xf32>
    %broadcast_in_dim3A_84 = vector.shape_cast %reduce_sum3A_83 : vector<1024xf32> to vector<1024x1xf32>
    %div3A_85 = vector.broadcast %broadcast_in_dim3A_84 : vector<1024x1xf32> to vector<1024x384xf32>
    %div3A_86 = arith.divf %exp3A_81, %div3A_85 : vector<1024x384xf32>
    %get3A_87 = arith.constant 0 : index
    %get3A_88 = arith.constant 0 : index
    %get3A_89 = vector.load %arg16[%get3A_87, %get3A_88] : memref<1x384xf32, #tpu.memory_space<vmem>>, vector<1x384xf32>
    %reduce_sum3A_90 = arith.constant dense<0.000000e+00> : vector<384xf32>
    %reduce_sum3A_91 = vector.multi_reduction <add>, %div3A_86, %reduce_sum3A_90 [0] : vector<1024x384xf32> to vector<384xf32>
    %broadcast_in_dim3A_92 = vector.shape_cast %reduce_sum3A_91 : vector<384xf32> to vector<1x384xf32>
    %add3A_93 = arith.addf %get3A_89, %broadcast_in_dim3A_92 : vector<1x384xf32>
    %swap3A_94 = arith.constant 0 : index
    %swap3A_95 = arith.constant 0 : index
    %swap3A_96 = vector.load %arg16[%swap3A_94, %swap3A_95] : memref<1x384xf32, #tpu.memory_space<vmem>>, vector<1x384xf32>
    tpu.vector_store %arg16[%swap3A_94, %swap3A_95], %add3A_93 {strides = array<i32>} : memref<1x384xf32, #tpu.memory_space<vmem>>, vector<1x384xf32>,
    %argmax3A_97 = tpu.reduce_index %add3A_75 {axis = 1 : i32, kind = #tpu.reduction_kind<arg_max>} : vector<1024x384xf32> -> vector<1024xi32>
    %swap3A_98 = arith.constant 0 : index
    %swap3A_99 = vector.load %arg5[%swap3A_98] : memref<1024xi32, #tpu.memory_space<vmem>>, vector<1024xi32>
    tpu.vector_store %arg5[%swap3A_98], %argmax3A_97 {strides = array<i32>} : memref<1024xi32, #tpu.memory_space<vmem>>, vector<1024xi32>,
    %iota3A_100 = tpu.iota {dimensions = array<i32: 1>} : vector<1024x384xi32>
    %broadcast_in_dim3A_101 = vector.shape_cast %argmax3A_97 : vector<1024xi32> to vector<1024x1xi32>
    %eq3A_102 = vector.broadcast %broadcast_in_dim3A_101 : vector<1024x1xi32> to vector<1024x384xi32>
    %eq3A_103 = arith.cmpi eq, %iota3A_100, %eq3A_102 : vector<1024x384xi32>
    %convert_element_type3A_104 = arith.extui %eq3A_103 : vector<1024x384xi1> to vector<1024x384xi32>
    %convert_element_type3A_105 = arith.sitofp %convert_element_type3A_104 : vector<1024x384xi32> to vector<1024x384xf32>
    %get3A_106 = arith.constant 0 : index
    %get3A_107 = arith.constant 0 : index
    %get3A_108 = vector.load %arg18[%get3A_106, %get3A_107] : memref<1x384xf32, #tpu.memory_space<vmem>>, vector<1x384xf32>
    %reduce_sum3A_109 = arith.constant dense<0.000000e+00> : vector<384xf32>
    %reduce_sum3A_110 = vector.multi_reduction <add>, %convert_element_type3A_105, %reduce_sum3A_109 [0] : vector<1024x384xf32> to vector<384xf32>
    %broadcast_in_dim3A_111 = vector.shape_cast %reduce_sum3A_110 : vector<384xf32> to vector<1x384xf32>
    %add3A_112 = arith.addf %get3A_108, %broadcast_in_dim3A_111 : vector<1x384xf32>
    %swap3A_113 = arith.constant 0 : index
    %swap3A_114 = arith.constant 0 : index
    %swap3A_115 = vector.load %arg18[%swap3A_113, %swap3A_114] : memref<1x384xf32, #tpu.memory_space<vmem>>, vector<1x384xf32>
    tpu.vector_store %arg18[%swap3A_113, %swap3A_114], %add3A_112 {strides = array<i32>} : memref<1x384xf32, #tpu.memory_space<vmem>>, vector<1x384xf32>,
    %get3A_116 = arith.constant 0 : index
    %get3A_117 = arith.constant 0 : index
    %get3A_118 = vector.load %arg20[%get3A_116, %get3A_117] : memref<1x384xf32, #tpu.memory_space<vmem>>, vector<1x384xf32>
    %reduce_sum3A_119 = arith.constant dense<0.000000e+00> : vector<384xf32>
    %reduce_sum3A_120 = vector.multi_reduction <add>, %add3A_75, %reduce_sum3A_119 [0] : vector<1024x384xf32> to vector<384xf32>
    %broadcast_in_dim3A_121 = vector.shape_cast %reduce_sum3A_120 : vector<384xf32> to vector<1x384xf32>
    %add3A_122 = arith.addf %get3A_118, %broadcast_in_dim3A_121 : vector<1x384xf32>
    %swap3A_123 = arith.constant 0 : index
    %swap3A_124 = arith.constant 0 : index
    %swap3A_125 = vector.load %arg20[%swap3A_123, %swap3A_124] : memref<1x384xf32, #tpu.memory_space<vmem>>, vector<1x384xf32>
    tpu.vector_store %arg20[%swap3A_123, %swap3A_124], %add3A_122 {strides = array<i32>} : memref<1x384xf32, #tpu.memory_space<vmem>>, vector<1x384xf32>,
    %eq3A_126 = arith.constant 5 : i32
    %eq3A_127 = arith.cmpi eq, %arg0, %eq3A_126 : i32
    %convert_element_type3A_128 = arith.extui %eq3A_127 : i1 to i32
    %cond3A_129 = arith.constant 0 : i32
    %cond3A_130 = arith.cmpi ne, %convert_element_type3A_128, %cond3A_129 : i32
    scf.if %cond3A_130 {
      %get3A_131 = arith.constant 0 : index
      %get3A_132 = arith.constant 0 : index
      %get3A_133 = vector.load %arg15[%get3A_131, %get3A_132] : memref<1x384xf32, #tpu.memory_space<vmem>>, vector<1x384xf32>
      %swap3A_134 = arith.constant 0 : index
      %swap3A_135 = arith.constant 0 : index
      %swap3A_136 = vector.load %arg6[%swap3A_134, %swap3A_135] : memref<1x384xf32, #tpu.memory_space<vmem>>, vector<1x384xf32>
      tpu.vector_store %arg6[%swap3A_134, %swap3A_135], %get3A_133 {strides = array<i32>} : memref<1x384xf32, #tpu.memory_space<vmem>>, vector<1x384xf32>,
      %get3A_137 = arith.constant 0 : index
      %get3A_138 = arith.constant 0 : index
      %get3A_139 = vector.load %arg16[%get3A_137, %get3A_138] : memref<1x384xf32, #tpu.memory_space<vmem>>, vector<1x384xf32>
      %swap3A_140 = arith.constant 0 : index
      %swap3A_141 = arith.constant 0 : index
      %swap3A_142 = vector.load %arg7[%swap3A_140, %swap3A_141] : memref<1x384xf32, #tpu.memory_space<vmem>>, vector<1x384xf32>
      tpu.vector_store %arg7[%swap3A_140, %swap3A_141], %get3A_139 {strides = array<i32>} : memref<1x384xf32, #tpu.memory_space<vmem>>, vector<1x384xf32>,
      %get3A_143 = arith.constant 0 : index
      %get3A_144 = arith.constant 0 : index
      %get3A_145 = vector.load %arg17[%get3A_143, %get3A_144] : memref<1x384xf32, #tpu.memory_space<vmem>>, vector<1x384xf32>
      %swap3A_146 = arith.constant 0 : index
      %swap3A_147 = arith.constant 0 : index
      %swap3A_148 = vector.load %arg8[%swap3A_146, %swap3A_147] : memref<1x384xf32, #tpu.memory_space<vmem>>, vector<1x384xf32>
      tpu.vector_store %arg8[%swap3A_146, %swap3A_147], %get3A_145 {strides = array<i32>} : memref<1x384xf32, #tpu.memory_space<vmem>>, vector<1x384xf32>,
      %get3A_149 = arith.constant 0 : index
      %get3A_150 = arith.constant 0 : index
      %get3A_151 = vector.load %arg18[%get3A_149, %get3A_150] : memref<1x384xf32, #tpu.memory_space<vmem>>, vector<1x384xf32>
      %swap3A_152 = arith.constant 0 : index
      %swap3A_153 = arith.constant 0 : index
      %swap3A_154 = vector.load %arg9[%swap3A_152, %swap3A_153] : memref<1x384xf32, #tpu.memory_space<vmem>>, vector<1x384xf32>
      tpu.vector_store %arg9[%swap3A_152, %swap3A_153], %get3A_151 {strides = array<i32>} : memref<1x384xf32, #tpu.memory_space<vmem>>, vector<1x384xf32>,
      %get3A_155 = arith.constant 0 : index
      %get3A_156 = arith.constant 0 : index
      %get3A_157 = vector.load %arg19[%get3A_155, %get3A_156] : memref<1x384xf32, #tpu.memory_space<vmem>>, vector<1x384xf32>
      %swap3A_158 = arith.constant 0 : index
      %swap3A_159 = arith.constant 0 : index
      %swap3A_160 = vector.load %arg10[%swap3A_158, %swap3A_159] : memref<1x384xf32, #tpu.memory_space<vmem>>, vector<1x384xf32>
      tpu.vector_store %arg10[%swap3A_158, %swap3A_159], %get3A_157 {strides = array<i32>} : memref<1x384xf32, #tpu.memory_space<vmem>>, vector<1x384xf32>,
      %get3A_161 = arith.constant 0 : index
      %get3A_162 = arith.constant 0 : index
      %get3A_163 = vector.load %arg20[%get3A_161, %get3A_162] : memref<1x384xf32, #tpu.memory_space<vmem>>, vector<1x384xf32>
      %swap3A_164 = arith.constant 0 : index
      %swap3A_165 = arith.constant 0 : index
      %swap3A_166 = vector.load %arg11[%swap3A_164, %swap3A_165] : memref<1x384xf32, #tpu.memory_space<vmem>>, vector<1x384xf32>
      tpu.vector_store %arg11[%swap3A_164, %swap3A_165], %get3A_163 {strides = array<i32>} : memref<1x384xf32, #tpu.memory_space<vmem>>, vector<1x384xf32>,
    } else {
    }
    return
  }
  func.func @transform_0(%arg0: i32) -> (i32, i32) {
    %add3A = arith.constant 0 : i32
    %add3A_0 = arith.addi %arg0, %add3A : i32
    %c0_i32 = arith.constant 0 : i32
    %c0_i32_1 = arith.constant 0 : i32
    return %add3A_0, %c0_i32 : i32, i32
  }
  func.func @transform_1(%arg0: i32) -> (i32, i32) {
    %c0_i32 = arith.constant 0 : i32
    %c0_i32_0 = arith.constant 0 : i32
    %c0_i32_1 = arith.constant 0 : i32
    return %c0_i32, %c0_i32_0 : i32, i32
  }
  func.func @transform_2(%arg0: i32) -> (i32, i32) {
    %c0_i32 = arith.constant 0 : i32
    %c0_i32_0 = arith.constant 0 : i32
    %c0_i32_1 = arith.constant 0 : i32
    return %c0_i32, %c0_i32_0 : i32, i32
  }
  func.func @transform_3(%arg0: i32) -> i32 {
    %c0_i32 = arith.constant 0 : i32
    return %arg0 : i32
  }
  func.func @transform_4(%arg0: i32) -> i32 {
    %c0_i32 = arith.constant 0 : i32
    return %arg0 : i32
  }
  func.func @transform_5(%arg0: i32) -> (i32, i32) {
    %c0_i32 = arith.constant 0 : i32
    %c0_i32_0 = arith.constant 0 : i32
    %c0_i32_1 = arith.constant 0 : i32
    return %c0_i32, %c0_i32_0 : i32, i32
  }
  func.func @transform_6(%arg0: i32) -> (i32, i32) {
    %c0_i32 = arith.constant 0 : i32
    %c0_i32_0 = arith.constant 0 : i32
    %c0_i32_1 = arith.constant 0 : i32
    return %c0_i32, %c0_i32_0 : i32, i32
  }
  func.func @transform_7(%arg0: i32) -> (i32, i32) {
    %c0_i32 = arith.constant 0 : i32
    %c0_i32_0 = arith.constant 0 : i32
    %c0_i32_1 = arith.constant 0 : i32
    return %c0_i32, %c0_i32_0 : i32, i32
  }
  func.func @transform_8(%arg0: i32) -> (i32, i32) {
    %c0_i32 = arith.constant 0 : i32
    %c0_i32_0 = arith.constant 0 : i32
    %c0_i32_1 = arith.constant 0 : i32
    return %c0_i32, %c0_i32_0 : i32, i32
  }
  func.func @transform_9(%arg0: i32) -> (i32, i32) {
    %c0_i32 = arith.constant 0 : i32
    %c0_i32_0 = arith.constant 0 : i32
    %c0_i32_1 = arith.constant 0 : i32
    return %c0_i32, %c0_i32_0 : i32, i32
  }
  func.func @transform_10(%arg0: i32) -> (i32, i32) {
    %c0_i32 = arith.constant 0 : i32
    %c0_i32_0 = arith.constant 0 : i32
    %c0_i32_1 = arith.constant 0 : i32
    return %c0_i32, %c0_i32_0 : i32, i32
  }
}

</mosaic_0001>

<sc_bundles>
// kernel: kernel.6.cloned.1.call-start
scs
__scs_entry_jumppad:
0x0: {  	(pc) =	sbr.rel $0x88, $3  }
0x1: {  	(tag) =	ssettag $0x0;
	lr =	simm.s32 $0x1  }
0x2: {  	[smem:$0x3F9C] =	sst lr;
	_ =	strace $0xD0000000  }
0x3: {  	_ = 	snop  }
0x4: {  	_ = 	snop  }
0x5: {  	_ = 	snop  }
0x6: {  	_ = 	snop  }
0x7: {  	_ = 	snop  }
__scs_overlays_trampoline_lowered:
0x8: {  	[smem:$0x3FAB] =	sst s0  }
0x9: {  	[smem:$0x3FAC] =	sst s1  }
0xa: {  	[smem:$0x3FAD] =	sst s2  }
0xb: {  	[smem:$0x3FAE] =	sst s3  }
0xc: {  	[smem:$0x3FAF] =	sst s4  }
0xd: {  	[smem:$0x3FB0] =	sst s5  }
0xe: {  	[smem:$0x3FB1] =	sst s6  }
0xf: {  	[smem:$0x3FB2] =	sst s7  }
0x10: {  	[smem:$0x3FB3] =	sst s8  }
0x11: {  	[smem:$0x3FB4] =	sst s9;
	s0 =	simm.s32 @!p0 $0x0  }
0x12: {  	s1 =	sld [smem:$0x3F9A];
	s0 =	simm.s32 @p0 $0x1  }
0x13: {  	[smem:$0x3FB5] =	sst s0;
	s0 =	simm.s32 @!p1 $0x0  }
0x14: {  	s2 =	sld [smem:$0x3F99];
	s0 =	simm.s32 @p1 $0x1  }
0x15: {  	[smem:$0x3FB6] =	sst s0;
	s0 =	simm.s32 @!p2 $0x0  }
0x16: {  	s3 =	sld [smem:$0x3FDB];
	s0 =	simm.s32 @p2 $0x1  }
0x17: {  	s4 =	simm.s32 $0x1BF5;
	[smem:$0x3FB8] =	sst s0  }
0x18: {  	s0 =	sld [smem:$0x3F9B];
	_ =	swait.ge [sflag:s4], $0x0  }
0x19: {  	s7 =	sld [smem:$0x3F9C]  }
0x1a: {  	s8 =	sadd.s32 $0xFFFFE003, lr  }
0x1b: {  	s9 =	sadd.s32 $0xFFFFFEF7, lr;
	s5 =	simm.s32 $0xFFFFFFFF;
	p2 =	slt.u32 s8, $0xFFFFF086  }
0x1c: {  	p1 =	slt.u32 s9, $0xF7A;
	s5 =	simm.s32 @!p2 $0x0  }
0x1d: {  	s5 =	simm.s32 @p1 $0x1;
	p0 =	seq.s32 s7, s2  }
0x1e: {  	s7 =	smul.u32 @!p0 $0xF7A, s2;
	p2 =	seq.s32 @!p0 s5, $0x0  }
0x1f: {  	s9 =	smul.u32 $0xF7A, s1;
	s8 =	simm.s32 @!p0 $0x1BF5;
	p2 =	por !p2, p0  }
0x20: {  	[sflag:s8] =	ssyncset.s32 @!p0 $0xFFFFF086;
	s6 =	sadd.s32 @!p0 s3, s7;
	s7 =	simm.s32 @!p0 $0x108  }
0x21: {  	s3 =	sadd.s32 s3, s9;
	s6 =	sadd.s32 @!p0 $0x88, s6;
	s7 =	simm.s32 @p2 $0x1082  }
0x22: {  	[simem:s7], [sflag:s8] =	dma.local @!p0 [hbm:s6], $0xF7A  }
0x23: {  	s9 =	sor.u32 $0xD0000000, s2;
	s6 =	simm.s32 $0x108;
	_ =	swait.ge @!p0 [sflag:s8], $0x0  }
0x24: {  	s3 =	sadd.s32 $0x88, s3;
	s6 =	simm.s32 @!p1 $0x1082;
	[sflag:s4] =	ssyncset.s32 $0xFFFFF086  }
0x25: {  	[simem:s6], [sflag:s4] =	dma.local [hbm:s3], $0xF7A  }
0x26: {  	[smem:$0x3F9C] =	sst s1;
	(tag) =	ssettag s2;
	_ =	strace s9  }
0x27: {  	s1 =	sld [smem:$0x3FAC]  }
0x28: {  	s2 =	sld [smem:$0x3FAD]  }
0x29: {  	s4 =	sld [smem:$0x3FAF]  }
0x2a: {  	p0 =	seq.s32 s5, $0x0;
	s5 =	sld [smem:$0x3FB0]  }
0x2b: {  	s6 =	sld [smem:$0x3FB1]  }
0x2c: {  	s7 =	sld [smem:$0x3FB2]  }
0x2d: {  	s3 =	simm.s32 $0x108;
	s8 =	sld [smem:$0x3FB3]  }
0x2e: {  	s3 =	simm.s32 @!p0 $0x1082;
	s9 =	sld [smem:$0x3FB4]  }
0x2f: {  	lr =	sadd.s32 s0, s3;
	s0 =	sld [smem:$0x3FAB]  }
0x30: {  	s3 =	sld [smem:$0x3FAE]  }
0x31: {  	[smem:$0x3FB7] =	sst s10  }
0x32: {  	s10 =	sld [smem:$0x3FB5];
	_ =	sdelay $0x3  }
0x33: {  	p0 =	seq.s32 s10, $0x1;
	s10 =	sld [smem:$0x3FB7];
	_ =	sdelay $0x3  }
0x34: {  	[smem:$0x3FB7] =	sst s10  }
0x35: {  	s10 =	sld [smem:$0x3FB6];
	_ =	sdelay $0x3  }
0x36: {  	p1 =	seq.s32 s10, $0x1;
	s10 =	sld [smem:$0x3FB7];
	_ =	sdelay $0x3  }
0x37: {  	[smem:$0x3FB7] =	sst s10  }
0x38: {  	s10 =	sld [smem:$0x3FB8]  }
0x39: {  	_ = 	snop;
	(pc) =	sbr.ind lr, $3  }
0x3a: {  	_ = 	snop  }
0x3b: {  	_ = 	snop  }
0x3c: {  	p2 =	seq.s32 s10, $0x1;
	s10 =	sld [smem:$0x3FB7]  }
0x3d: {  	_ =	shalt  }
0x3e: {  	_ =	shalt  }
0x3f: {  	_ =	shalt  }
0x40: {  	_ =	shalt  }
0x41: {  	_ =	shalt  }
0x42: {  	_ =	shalt  }
0x43: {  	_ =	shalt  }
0x44: {  	_ =	shalt  }
0x45: {  	_ =	shalt  }
0x46: {  	_ =	shalt  }
0x47: {  	_ =	shalt  }
0x48: {  	_ =	shalt  }
0x49: {  	_ =	shalt  }
0x4a: {  	_ =	shalt  }
0x4b: {  	_ =	shalt  }
0x4c: {  	_ =	shalt  }
0x4d: {  	_ =	shalt  }
0x4e: {  	_ =	shalt  }
0x4f: {  	_ =	shalt  }
0x50: {  	_ =	shalt  }
0x51: {  	_ =	shalt  }
0x52: {  	_ =	shalt  }
0x53: {  	_ =	shalt  }
0x54: {  	_ =	shalt  }
0x55: {  	_ =	shalt  }
0x56: {  	_ =	shalt  }
0x57: {  	_ =	shalt  }
0x58: {  	_ =	shalt  }
0x59: {  	_ =	shalt  }
0x5a: {  	_ =	shalt  }
0x5b: {  	_ =	shalt  }
0x5c: {  	_ =	shalt  }
0x5d: {  	_ =	shalt  }
0x5e: {  	_ =	shalt  }
0x5f: {  	_ =	shalt  }
0x60: {  	_ =	shalt  }
0x61: {  	_ =	shalt  }
0x62: {  	_ =	shalt  }
0x63: {  	_ =	shalt  }
0x64: {  	_ =	shalt  }
0x65: {  	_ =	shalt  }
0x66: {  	_ =	shalt  }
0x67: {  	_ =	shalt  }
0x68: {  	_ =	shalt  }
0x69: {  	_ =	shalt  }
0x6a: {  	_ =	shalt  }
0x6b: {  	_ =	shalt  }
0x6c: {  	_ =	shalt  }
0x6d: {  	_ =	shalt  }
0x6e: {  	_ =	shalt  }
0x6f: {  	_ =	shalt  }
0x70: {  	_ =	shalt  }
0x71: {  	_ =	shalt  }
0x72: {  	_ =	shalt  }
0x73: {  	_ =	shalt  }
0x74: {  	_ =	shalt  }
0x75: {  	_ =	shalt  }
0x76: {  	_ =	shalt  }
0x77: {  	_ =	shalt  }
0x78: {  	_ =	shalt  }
0x79: {  	_ =	shalt  }
0x7a: {  	_ =	shalt  }
0x7b: {  	_ =	shalt  }
0x7c: {  	_ =	shalt  }
0x7d: {  	_ =	shalt  }
0x7e: {  	_ =	shalt  }
0x7f: {  	_ =	shalt  }
0x80: {  	_ =	shalt  }
0x81: {  	_ =	shalt  }
0x82: {  	_ =	shalt  }
0x83: {  	_ =	shalt  }
0x84: {  	_ =	shalt  }
0x85: {  	_ =	shalt  }
0x86: {  	_ =	shalt  }
0x87: {  	_ =	shalt  }
.Lfunc_end0:
.L_simem_size_0:
called_computation_lowered:
.L_overlay_start_0:
0x88: {  	s2 =	sld [smem:$0x3FD9]  }
0x89: {  	s3 =	sld [smem:$0x3FFE];
	_ =	sdelay $0x1  }
0x8a: {  	s1 =	srdreg.scid  }
0x8b: {  	s0 =	sand.u32 $0x1, s1  }
0x8c: {  	s14 =	sshll.u32 s0, $0xA;
	s2 =	sadd.s32 s3, s2  }
0x8d: {  	s2 =	sadd.s32 s2, s14  }
0x8e: {  	[smem:$0x3FC3] =	sst s2  }
0x8f: {  	_ = 	snop  }
0x90: {  	s2 =	sld [smem:$0x3FD0];
	_ =	sdelay $0x2  }
0x91: {  	s4 =	simm.s32 $0xA;
	s5 =	simm.s32 $0x10;
	s15 =	sld [smem:$0x3FC6]  }
0x92: {  	[smem:s5], [sflag:s4] =	dma.local [hbm:s2], $0x1  }
0x93: {  	_ =	swait.eq [sflag:s4], $0x1  }
0x94: {  	[sflag:s4] =	ssyncset.done $0x0  }
0x95: {  	[sflag:s4] =	ssyncadd.s32 $0xFFFFFFFF  }
0x96: {  	s16 =	sld [smem:$0x10];
	(tm) =	ssettm $0x1  }
0x97: {  	s17 =	sld [smem:$0x3FFB];
	_ =	sdelay $0x3  }
0x98: {  	_ =	strace s17  }
0x99: {  	s4 =	sld [smem:$0x3FFC];
	_ =	sdelay $0x3  }
0x9a: {  	_ =	strace s4  }
0x9b: {  	s4 =	sld [smem:$0x3FFD];
	_ =	sdelay $0x3  }
0x9c: {  	_ =	strace s4  }
0x9d: {  	_ =	strace $0x8FFFFFFF  }
0x9e: {  	s18 =	sld [smem:$0x3FDB];
	_ =	sdelay $0x1  }
0x9f: {  	s19 =	simm.s32 $_scs_section_size  }
0xa0: {  	s6 =	simm.s32 $_size__tile_overlayer_lowered;
	s7 =	simm.s32 $_tile_overlayer_lowered  }
0xa1: {  	s22 =	simm.s32 $0x1BFF;
	s21 =	sshll.u32 s7, $0x1;
	s4 =	sadd.s32 s19, s18  }
0xa2: {  	s8 =	simm.s32 $0x0;
	s20 =	sshll.u32 s6, $0x1;
	s6 =	sadd.s32 s21, s4  }
0xa3: {  	[timem:s8], [sflag:s22] =	dma.local [hbm:s6], s20  }
0xa4: {  	_ =	swait.ge [sflag:s22], s20  }
0xa5: {  	s5 =	ssub.s32 $0x0, s20;
	[sflag:s22] =	ssyncset.done $0x0  }
0xa6: {  	[sflag:s22] =	ssyncadd.s32 s5;
	_ =	sdelay $0x1  }
0xa7: {  	s23 =	simm.s32 $0x1B8B  }
0xa8: {  	_ =	swait.ge [sflag:s23], $0x1  }
0xa9: {  	[sflag:s23] =	ssyncset.done $0x0  }
0xaa: {  	s25 =	simm.s32 $0x1B8E;
	s24 =	sld [smem:$0x3FFE];
	[sflag:s23] =	ssyncadd.s32 $0xFFFFFFFF  }
0xab: {  	s26 =	simm.s32 $execute0_lowered;
	[smem:$0x3FD2] =	sst s25  }
0xac: {  	s6 =	sshll.u32 s26, $0x1;
	_ =	strace $0x80000046;
	[dreg:$0x1] =	wrdreg $0xFFFFFFFF  }
0xad: {  	s28 =	simm.s32 $_size_execute0_lowered;
	s4 =	sadd.s32 s4, s6;
	[dreg:$0x0] =	wrdreg $0x0  }
0xae: {  	s6 =	sshll.u32 s28, $0x1;
	[dreg:$0x2] =	wrdreg s4  }
0xaf: {  	[dreg:$0x3] =	wrdreg s6  }
0xb0: {  	[dreg:$0x4] =	wrdreg $0xC0  }
0xb1: {  	_ =	task [dreg:s8], $0x5FFFF  }
0xb2: {  	[dreg:$0x1] =	wrdreg $0xFFFFFFFF  }
0xb3: {  	[dreg:$0x0] =	wrdreg $0x60  }
0xb4: {  	[dreg:$0x2] =	wrdreg s15  }
0xb5: {  	[dreg:$0x3] =	wrdreg s24  }
0xb6: {  	[dreg:$0x4] =	wrdreg s16  }
0xb7: {  	[dreg:$0x5] =	wrdreg $0x9  }
0xb8: {  	_ =	task.clear_ibuf [dreg:s8], $0x6FFFF;
	_ =	strace $0x90000046  }
0xb9: {  	s29 =	simm.s32 $0x9;
	_ =	strace $0x80000048  }
0xba: {  	_ =	swait.ge [sflag:s29], $0x1  }
0xbb: {  	[sflag:s29] =	ssyncadd.s32 $0xFFFFFFFF  }
0xbc: {  	_ =	strace $0x90000048  }
0xbd: {  	_ =	sfence  }
0xbe: {  	s30 =	sld [smem:$0x0];
	_ =	sdelay $0x2  }
0xbf: {  	s31 =	sshll.u32 s1, $0xD;
	s1 =	sshrl.u32 s1, $0x2  }
0xc0: {  	s3 =	sand.u32 $0x4000, s31;
	s1 =	sadd.s32 s1, s30  }
0xc1: {  	s0 =	sor.u32 s3, s0;
	s1 =	sshll.u32 s1, $0x11  }
0xc2: {  	s0 =	sor.u32 s1, s0  }
0xc3: {  	s0 =	sadd.s32 $0x8F2B, s0  }
0xc4: {  	[sflag:s0] =	ssyncadd.remote.s32 $0x1  }
0xc5: {  	_ =	sfence.sel $0xFFFF  }
0xc6: {  	[dreg:$0x0] =	wrdreg $0xFFFFFFFF;
	(pc) =	sbr.abs _section_cstart, $3  }
0xc7: {  	[dreg:$0x1] =	wrdreg $0xFFFFFFFF  }
0xc8: {  	_ =	task.clear_ibuf [dreg:s8], $0x2FFFF;
	_ =	strace $0x9FFFFFFF  }
0xc9: {  	(tm) =	ssettm $0x7FFFFFFF  }
tec
execute0_lowered:
.L_overlay_start_1:
0x0: {  	(tag) =	ssettag $0x1  }
0x1: {  	s0 =	rddreg [dreg:$0x0]  }
0x2: {  	s1 =	rddreg [dreg:$0x1]  }
0x3: {  	s4 =	rddreg [dreg:$0x2]  }
0x4: {  	s3 =	srdreg.scid;
	s2 =	simm.s32 $0x0;
	s7 =	stileid.u32  }
0x5: {  	s10 =	simm.s32 $0x180;
	s11 =	simm.s32 $0x980;
	s12 =	simm.s32 $0x1180  }
0x6: {  	s13 =	simm.s32 $0x1980;
	s14 =	simm.s32 $0x2180;
	s15 =	simm.s32 $0x2980  }
0x7: {  	s16 =	simm.s32 $0x3180;
	s17 =	simm.s32 $0x3980;
	s18 =	simm.s32 $0x4180  }
0x8: {  	s19 =	simm.s32 $0x4980;
	s29 =	simm.s32 $0x1;
	s30 =	simm.s32 $0x800  }
0x9: {  	s31 =	simm.s32 $0x1000;
	s8 =	sand.u32 $0x1, s3;
	s20 =	smul.u32 $0x30, s7  }
0xa: {  	[smem:$0x7FF] =	sst s2;
	s21 =	smul.u32 $0x30000, s7;
	s5 =	ssub.s32 $0x2, s8  }
0xb: {  	_ =	strace $0x80000047;
	p0 =	seq.s32 s8, $0x1;
	s22 =	smul.u32 $0x2800, s8  }
0xc: {  	s23 =	sshll.u32 s8, $0xB;
	s6 =	sshrl.u32 s5, $0x1;
	s1 =	sadd.s32 s20, s1  }
0xd: {  	s24 =	sor.u32 s23, s21;
	p1 =	seq.s32 @!p0 s8, $0x0;
	s20 =	simm.s32 $0x5180  }
0xe: {  	s21 =	simm.s32 $0x5980;
	s23 =	simm.s32 $0x6980;
	s9 =	ssub.s32 s5, s6  }
0xf: {  	s3 =	sadd.s32 $0x1800, s1;
	s1 =	sadd.s32 $0x1C00, s1;
	s5 =	sadd.s32 s0, s22  }
0x10: {  	s25 =	sshrl.u32 s24, $0x3;
	s7 =	sadd.s32 $0x10000, s24;
	p1 =	por p0, !p1  }
0x11: {  	s22 =	simm.s32 $0x6180;
	s0 =	simm.s32 $0x3;
	[dreg:$0x4] =	wrdreg s1  }
0x12: {  	s6 =	sadd.s32 s4, s25;
	s26 =	sshrl.u32 s7, $0x3;
	s1 =	sadd.s32 $0x20000, s24  }
0x13: {  	v2 =	vlaneseq.u32;
	s9 =	smax.u32 s9, $0x1;
	s24 =	simm.s32 $0x7180;
	s25 =	simm.s32 $0x7980  }
0x14: {  	vm0 =	vmmov $0xffff;
	v1 =	vshrl.u32 v2, $0x3;
	s7 =	sadd.s32 s4, s26;
	s28 =	sshrl.u32 s1, $0x3;
	s26 =	simm.s32 $0x8180  }
0x15: {  	v0 =	vand.u32 $0x7, v2;
	v2 =	vor.u32 $0x8, v2;
	v1 =	vmul.u32 $0x8, v1;
	s1 =	simm.s32 $0x2;
	s8 =	sadd.s32 s4, s28;
	s4 =	simm.s32 $0x4  }
.LBB2_1:
0x16: {  	s28 =	simm.s32 @!p0 $0x0  }
0x17: {  	[tilespmem:s28], [sflag:$0x5] =	stream.linear.gather @!p0 [hbm4b:s3+s28], $0x180, $0x38;
	[tilespmem:$0x10180] =	vst v63  }
0x18: {  	s28 =	simm.s32 @!p0 $0x5  }
0x19: {  	_ =	swait.ge @!p0 [sflag:s28], $0x180  }
0x1a: {  	[sflag:s28] =	ssyncset.done @!p0 $0x0  }
0x1b: {  	[sflag:s28] =	ssyncadd.s32 @!p0 $0xFFFFFE80;
	s28 =	rddreg @p1 [dreg:$0x4]  }
0x1c: {  	[tilespmem:s2], [sflag:$0x5] =	stream.linear.gather @p1 [hbm4b:s28+s2], $0x180, $0x38;
	[tilespmem:$0x10180] =	vst v63  }
0x1d: {  	s28 =	simm.s32 @p1 $0x5  }
0x1e: {  	_ =	swait.ge @p1 [sflag:s28], $0x180  }
0x1f: {  	[sflag:s28] =	ssyncset.done @p1 $0x0  }
0x20: {  	[sflag:s28] =	ssyncadd.s32 @p1 $0xFFFFFE80  }
0x21: {  	v3 =	vld [tilespmem:$0x0];
	_ =	sdelay $0x4  }
0x22: {  	v4 =	vshll.u32 v3, $0x1  }
0x23: {  	v3 =	vand.u32 $0x7, v3;
	v4 =	vand.u32 $0xFFFFFFF0, v4  }
0x24: {  	v3 =	vor.u32 v3, v4  }
0x25: {  	v4 =	vperm.xlane v3, v0;
	_ =	sdelay $0x1  }
0x26: {  	v3 =	vperm.xlane v3, v2;
	v4 =	vadd.s32 v1, v4;
	_ =	sdelay $0x1  }
0x27: {  	v3 =	vadd.s32 v1, v3;
	_ =	sdelay $0x2  }
0x28: {  	[tilespmem:s10], [sflag:$0x1] =	stream.indirect_vreg.gather [hbm4b:s5+s2], $0x80, v4, vm0, $0xb8;
	[tilespmem:$0x10180] =	vst v63  }
0x29: {  	_ = 	snop  }
0x2a: {  	[tilespmem:s11], [sflag:$0x1] =	stream.indirect_vreg.gather [hbm4b:s5+s2], $0x80, v3, vm0, $0xb8;
	[tilespmem:$0x10180] =	vst v63  }
0x2b: {  	v3 =	vld [tilespmem:$0x10];
	_ =	sdelay $0x4  }
0x2c: {  	v41 =	vshll.u32 v3, $0x1  }
0x2d: {  	v3 =	vand.u32 $0x7, v3;
	v4 =	vand.u32 $0xFFFFFFF0, v41  }
0x2e: {  	v3 =	vor.u32 v3, v4  }
0x2f: {  	v4 =	vperm.xlane v3, v0;
	_ =	sdelay $0x1  }
0x30: {  	v3 =	vperm.xlane v3, v2;
	v4 =	vadd.s32 v1, v4;
	_ =	sdelay $0x1  }
0x31: {  	v3 =	vadd.s32 v1, v3;
	_ =	sdelay $0x2  }
0x32: {  	[tilespmem:s12], [sflag:$0x1] =	stream.indirect_vreg.gather [hbm4b:s5+s2], $0x80, v4, vm0, $0xb8;
	[tilespmem:$0x10180] =	vst v63  }
0x33: {  	_ = 	snop  }
0x34: {  	[tilespmem:s13], [sflag:$0x1] =	stream.indirect_vreg.gather [hbm4b:s5+s2], $0x80, v3, vm0, $0xb8;
	[tilespmem:$0x10180] =	vst v63  }
0x35: {  	v3 =	vld [tilespmem:$0x20];
	_ =	sdelay $0x4  }
0x36: {  	v42 =	vshll.u32 v3, $0x1  }
0x37: {  	v3 =	vand.u32 $0x7, v3;
	v4 =	vand.u32 $0xFFFFFFF0, v42  }
0x38: {  	v3 =	vor.u32 v3, v4  }
0x39: {  	v4 =	vperm.xlane v3, v0;
	_ =	sdelay $0x1  }
0x3a: {  	v3 =	vperm.xlane v3, v2;
	v4 =	vadd.s32 v1, v4;
	_ =	sdelay $0x1  }
0x3b: {  	v3 =	vadd.s32 v1, v3;
	_ =	sdelay $0x2  }
0x3c: {  	[tilespmem:s14], [sflag:$0x1] =	stream.indirect_vreg.gather [hbm4b:s5+s2], $0x80, v4, vm0, $0xb8;
	[tilespmem:$0x10180] =	vst v63  }
0x3d: {  	_ = 	snop  }
0x3e: {  	[tilespmem:s15], [sflag:$0x1] =	stream.indirect_vreg.gather [hbm4b:s5+s2], $0x80, v3, vm0, $0xb8;
	[tilespmem:$0x10180] =	vst v63  }
0x3f: {  	v3 =	vld [tilespmem:$0x30];
	_ =	sdelay $0x4  }
0x40: {  	v43 =	vshll.u32 v3, $0x1  }
0x41: {  	v3 =	vand.u32 $0x7, v3;
	v4 =	vand.u32 $0xFFFFFFF0, v43  }
0x42: {  	v3 =	vor.u32 v3, v4  }
0x43: {  	v4 =	vperm.xlane v3, v0;
	_ =	sdelay $0x1  }
0x44: {  	v3 =	vperm.xlane v3, v2;
	v4 =	vadd.s32 v1, v4;
	_ =	sdelay $0x1  }
0x45: {  	v3 =	vadd.s32 v1, v3;
	_ =	sdelay $0x2  }
0x46: {  	[tilespmem:s16], [sflag:$0x1] =	stream.indirect_vreg.gather [hbm4b:s5+s2], $0x80, v4, vm0, $0xb8;
	[tilespmem:$0x10180] =	vst v63  }
0x47: {  	_ = 	snop  }
0x48: {  	[tilespmem:s17], [sflag:$0x1] =	stream.indirect_vreg.gather [hbm4b:s5+s2], $0x80, v3, vm0, $0xb8;
	[tilespmem:$0x10180] =	vst v63  }
0x49: {  	v3 =	vld [tilespmem:$0x40];
	_ =	sdelay $0x4  }
0x4a: {  	v44 =	vshll.u32 v3, $0x1  }
0x4b: {  	v3 =	vand.u32 $0x7, v3;
	v4 =	vand.u32 $0xFFFFFFF0, v44  }
0x4c: {  	v3 =	vor.u32 v3, v4  }
0x4d: {  	v4 =	vperm.xlane v3, v0;
	_ =	sdelay $0x1  }
0x4e: {  	v3 =	vperm.xlane v3, v2;
	v4 =	vadd.s32 v1, v4;
	_ =	sdelay $0x1  }
0x4f: {  	v3 =	vadd.s32 v1, v3;
	_ =	sdelay $0x2  }
0x50: {  	[tilespmem:s18], [sflag:$0x1] =	stream.indirect_vreg.gather [hbm4b:s5+s2], $0x80, v4, vm0, $0xb8;
	[tilespmem:$0x10180] =	vst v63  }
0x51: {  	_ = 	snop  }
0x52: {  	[tilespmem:s19], [sflag:$0x1] =	stream.indirect_vreg.gather [hbm4b:s5+s2], $0x80, v3, vm0, $0xb8;
	[tilespmem:$0x10180] =	vst v63  }
0x53: {  	v3 =	vld [tilespmem:$0x50];
	_ =	sdelay $0x4  }
0x54: {  	v45 =	vshll.u32 v3, $0x1  }
0x55: {  	v3 =	vand.u32 $0x7, v3;
	v4 =	vand.u32 $0xFFFFFFF0, v45  }
0x56: {  	v3 =	vor.u32 v3, v4  }
0x57: {  	v4 =	vperm.xlane v3, v0;
	_ =	sdelay $0x1  }
0x58: {  	v3 =	vperm.xlane v3, v2;
	v4 =	vadd.s32 v1, v4;
	_ =	sdelay $0x1  }
0x59: {  	v3 =	vadd.s32 v1, v3;
	_ =	sdelay $0x2  }
0x5a: {  	[tilespmem:s20], [sflag:$0x1] =	stream.indirect_vreg.gather [hbm4b:s5+s2], $0x80, v4, vm0, $0xb8;
	[tilespmem:$0x10180] =	vst v63  }
0x5b: {  	_ = 	snop  }
0x5c: {  	[tilespmem:s21], [sflag:$0x1] =	stream.indirect_vreg.gather [hbm4b:s5+s2], $0x80, v3, vm0, $0xb8;
	[tilespmem:$0x10180] =	vst v63  }
0x5d: {  	v3 =	vld [tilespmem:$0x60];
	_ =	sdelay $0x4  }
0x5e: {  	v46 =	vshll.u32 v3, $0x1  }
0x5f: {  	v3 =	vand.u32 $0x7, v3;
	v4 =	vand.u32 $0xFFFFFFF0, v46  }
0x60: {  	v3 =	vor.u32 v3, v4  }
0x61: {  	v4 =	vperm.xlane v3, v0;
	_ =	sdelay $0x1  }
0x62: {  	v3 =	vperm.xlane v3, v2;
	v4 =	vadd.s32 v1, v4;
	_ =	sdelay $0x1  }
0x63: {  	v3 =	vadd.s32 v1, v3;
	_ =	sdelay $0x2  }
0x64: {  	[tilespmem:s22], [sflag:$0x1] =	stream.indirect_vreg.gather [hbm4b:s5+s2], $0x80, v4, vm0, $0xb8;
	[tilespmem:$0x10180] =	vst v63  }
0x65: {  	_ = 	snop  }
0x66: {  	[tilespmem:s23], [sflag:$0x1] =	stream.indirect_vreg.gather [hbm4b:s5+s2], $0x80, v3, vm0, $0xb8;
	[tilespmem:$0x10180] =	vst v63  }
0x67: {  	v3 =	vld [tilespmem:$0x70];
	_ =	sdelay $0x4  }
0x68: {  	v47 =	vshll.u32 v3, $0x1  }
0x69: {  	v3 =	vand.u32 $0x7, v3;
	v4 =	vand.u32 $0xFFFFFFF0, v47  }
0x6a: {  	v3 =	vor.u32 v3, v4  }
0x6b: {  	v4 =	vperm.xlane v3, v0;
	_ =	sdelay $0x1  }
0x6c: {  	v3 =	vperm.xlane v3, v2;
	v4 =	vadd.s32 v1, v4;
	_ =	sdelay $0x1  }
0x6d: {  	v3 =	vadd.s32 v1, v3;
	_ =	sdelay $0x2  }
0x6e: {  	[tilespmem:s24], [sflag:$0x1] =	stream.indirect_vreg.gather [hbm4b:s5+s2], $0x80, v4, vm0, $0xb8;
	[tilespmem:$0x10180] =	vst v63  }
0x6f: {  	_ = 	snop  }
0x70: {  	[tilespmem:s25], [sflag:$0x1] =	stream.indirect_vreg.gather [hbm4b:s5+s2], $0x80, v3, vm0, $0xb8;
	[tilespmem:$0x10180] =	vst v63  }
0x71: {  	v3 =	vld [tilespmem:$0x80];
	_ =	sdelay $0x4  }
0x72: {  	v48 =	vshll.u32 v3, $0x1  }
0x73: {  	v3 =	vand.u32 $0x7, v3;
	v4 =	vand.u32 $0xFFFFFFF0, v48  }
0x74: {  	v3 =	vor.u32 v3, v4  }
0x75: {  	v4 =	vperm.xlane v3, v0;
	_ =	sdelay $0x1  }
0x76: {  	v3 =	vperm.xlane v3, v2;
	v4 =	vadd.s32 v1, v4;
	_ =	sdelay $0x1  }
0x77: {  	v3 =	vadd.s32 v1, v3;
	_ =	sdelay $0x2  }
0x78: {  	[tilespmem:s26], [sflag:$0x2] =	stream.indirect_vreg.gather [hbm4b:s5+s2], $0x80, v4, vm0, $0xb8;
	[tilespmem:$0x10180] =	vst v63  }
0x79: {  	s28 =	simm.s32 $0x8980  }
0x7a: {  	[tilespmem:s28], [sflag:$0x2] =	stream.indirect_vreg.gather [hbm4b:s5+s2], $0x80, v3, vm0, $0xb8;
	[tilespmem:$0x10180] =	vst v63  }
0x7b: {  	v3 =	vld [tilespmem:$0x90];
	_ =	sdelay $0x4  }
0x7c: {  	v49 =	vshll.u32 v3, $0x1  }
0x7d: {  	v3 =	vand.u32 $0x7, v3;
	v4 =	vand.u32 $0xFFFFFFF0, v49  }
0x7e: {  	v3 =	vor.u32 v3, v4  }
0x7f: {  	v4 =	vperm.xlane v3, v0;
	_ =	sdelay $0x1  }
0x80: {  	v3 =	vperm.xlane v3, v2;
	v4 =	vadd.s32 v1, v4;
	_ =	sdelay $0x1  }
0x81: {  	v3 =	vadd.s32 v1, v3;
	_ =	sdelay $0x1  }
0x82: {  	s28 =	simm.s32 $0x9180  }
0x83: {  	[tilespmem:s28], [sflag:$0x2] =	stream.indirect_vreg.gather [hbm4b:s5+s2], $0x80, v4, vm0, $0xb8;
	[tilespmem:$0x10180] =	vst v63  }
0x84: {  	s28 =	simm.s32 $0x9980  }
0x85: {  	[tilespmem:s28], [sflag:$0x2] =	stream.indirect_vreg.gather [hbm4b:s5+s2], $0x80, v3, vm0, $0xb8;
	[tilespmem:$0x10180] =	vst v63  }
0x86: {  	v3 =	vld [tilespmem:$0xA0];
	_ =	sdelay $0x4  }
0x87: {  	v50 =	vshll.u32 v3, $0x1  }
0x88: {  	v3 =	vand.u32 $0x7, v3;
	v4 =	vand.u32 $0xFFFFFFF0, v50  }
0x89: {  	v3 =	vor.u32 v3, v4  }
0x8a: {  	v4 =	vperm.xlane v3, v0;
	_ =	sdelay $0x1  }
0x8b: {  	v3 =	vperm.xlane v3, v2;
	v4 =	vadd.s32 v1, v4;
	_ =	sdelay $0x1  }
0x8c: {  	v3 =	vadd.s32 v1, v3;
	_ =	sdelay $0x1  }
0x8d: {  	s28 =	simm.s32 $0xA180  }
0x8e: {  	[tilespmem:s28], [sflag:$0x2] =	stream.indirect_vreg.gather [hbm4b:s5+s2], $0x80, v4, vm0, $0xb8;
	[tilespmem:$0x10180] =	vst v63  }
0x8f: {  	s28 =	simm.s32 $0xA980  }
0x90: {  	[tilespmem:s28], [sflag:$0x2] =	stream.indirect_vreg.gather [hbm4b:s5+s2], $0x80, v3, vm0, $0xb8;
	[tilespmem:$0x10180] =	vst v63  }
0x91: {  	v3 =	vld [tilespmem:$0xB0];
	_ =	sdelay $0x4  }
0x92: {  	v51 =	vshll.u32 v3, $0x1  }
0x93: {  	v3 =	vand.u32 $0x7, v3;
	v4 =	vand.u32 $0xFFFFFFF0, v51  }
0x94: {  	v3 =	vor.u32 v3, v4  }
0x95: {  	v4 =	vperm.xlane v3, v0;
	_ =	sdelay $0x1  }
0x96: {  	v3 =	vperm.xlane v3, v2;
	v4 =	vadd.s32 v1, v4;
	_ =	sdelay $0x1  }
0x97: {  	v3 =	vadd.s32 v1, v3;
	_ =	sdelay $0x1  }
0x98: {  	s28 =	simm.s32 $0xB180  }
0x99: {  	[tilespmem:s28], [sflag:$0x2] =	stream.indirect_vreg.gather [hbm4b:s5+s2], $0x80, v4, vm0, $0xb8;
	[tilespmem:$0x10180] =	vst v63  }
0x9a: {  	s28 =	simm.s32 $0xB980  }
0x9b: {  	[tilespmem:s28], [sflag:$0x2] =	stream.indirect_vreg.gather [hbm4b:s5+s2], $0x80, v3, vm0, $0xb8;
	[tilespmem:$0x10180] =	vst v63  }
0x9c: {  	v3 =	vld [tilespmem:$0xC0];
	_ =	sdelay $0x4  }
0x9d: {  	v52 =	vshll.u32 v3, $0x1  }
0x9e: {  	v3 =	vand.u32 $0x7, v3;
	v4 =	vand.u32 $0xFFFFFFF0, v52  }
0x9f: {  	v3 =	vor.u32 v3, v4  }
0xa0: {  	v4 =	vperm.xlane v3, v0;
	_ =	sdelay $0x1  }
0xa1: {  	v3 =	vperm.xlane v3, v2;
	v4 =	vadd.s32 v1, v4;
	_ =	sdelay $0x1  }
0xa2: {  	v3 =	vadd.s32 v1, v3;
	_ =	sdelay $0x1  }
0xa3: {  	s28 =	simm.s32 $0xC180  }
0xa4: {  	[tilespmem:s28], [sflag:$0x2] =	stream.indirect_vreg.gather [hbm4b:s5+s2], $0x80, v4, vm0, $0xb8;
	[tilespmem:$0x10180] =	vst v63  }
0xa5: {  	s28 =	simm.s32 $0xC980  }
0xa6: {  	[tilespmem:s28], [sflag:$0x2] =	stream.indirect_vreg.gather [hbm4b:s5+s2], $0x80, v3, vm0, $0xb8;
	[tilespmem:$0x10180] =	vst v63  }
0xa7: {  	v3 =	vld [tilespmem:$0xD0];
	_ =	sdelay $0x4  }
0xa8: {  	v53 =	vshll.u32 v3, $0x1  }
0xa9: {  	v3 =	vand.u32 $0x7, v3;
	v4 =	vand.u32 $0xFFFFFFF0, v53  }
0xaa: {  	v3 =	vor.u32 v3, v4  }
0xab: {  	v4 =	vperm.xlane v3, v0;
	_ =	sdelay $0x1  }
0xac: {  	v3 =	vperm.xlane v3, v2;
	v4 =	vadd.s32 v1, v4;
	_ =	sdelay $0x1  }
0xad: {  	v3 =	vadd.s32 v1, v3;
	_ =	sdelay $0x1  }
0xae: {  	s28 =	simm.s32 $0xD180  }
0xaf: {  	[tilespmem:s28], [sflag:$0x2] =	stream.indirect_vreg.gather [hbm4b:s5+s2], $0x80, v4, vm0, $0xb8;
	[tilespmem:$0x10180] =	vst v63  }
0xb0: {  	s28 =	simm.s32 $0xD980  }
0xb1: {  	[tilespmem:s28], [sflag:$0x2] =	stream.indirect_vreg.gather [hbm4b:s5+s2], $0x80, v3, vm0, $0xb8;
	[tilespmem:$0x10180] =	vst v63  }
0xb2: {  	v3 =	vld [tilespmem:$0xE0];
	_ =	sdelay $0x4  }
0xb3: {  	v54 =	vshll.u32 v3, $0x1  }
0xb4: {  	v3 =	vand.u32 $0x7, v3;
	v4 =	vand.u32 $0xFFFFFFF0, v54  }
0xb5: {  	v3 =	vor.u32 v3, v4  }
0xb6: {  	v4 =	vperm.xlane v3, v0;
	_ =	sdelay $0x1  }
0xb7: {  	v3 =	vperm.xlane v3, v2;
	v4 =	vadd.s32 v1, v4;
	_ =	sdelay $0x1  }
0xb8: {  	v3 =	vadd.s32 v1, v3;
	_ =	sdelay $0x1  }
0xb9: {  	s28 =	simm.s32 $0xE180  }
0xba: {  	[tilespmem:s28], [sflag:$0x2] =	stream.indirect_vreg.gather [hbm4b:s5+s2], $0x80, v4, vm0, $0xb8;
	[tilespmem:$0x10180] =	vst v63  }
0xbb: {  	s28 =	simm.s32 $0xE980  }
0xbc: {  	[tilespmem:s28], [sflag:$0x2] =	stream.indirect_vreg.gather [hbm4b:s5+s2], $0x80, v3, vm0, $0xb8;
	[tilespmem:$0x10180] =	vst v63  }
0xbd: {  	v3 =	vld [tilespmem:$0xF0];
	_ =	sdelay $0x4  }
0xbe: {  	v55 =	vshll.u32 v3, $0x1  }
0xbf: {  	v3 =	vand.u32 $0x7, v3;
	v4 =	vand.u32 $0xFFFFFFF0, v55  }
0xc0: {  	v3 =	vor.u32 v3, v4  }
0xc1: {  	v4 =	vperm.xlane v3, v0;
	_ =	sdelay $0x1  }
0xc2: {  	v3 =	vperm.xlane v3, v2;
	v4 =	vadd.s32 v1, v4;
	_ =	sdelay $0x1  }
0xc3: {  	v3 =	vadd.s32 v1, v3;
	_ =	sdelay $0x1  }
0xc4: {  	s28 =	simm.s32 $0xF180  }
0xc5: {  	[tilespmem:s28], [sflag:$0x2] =	stream.indirect_vreg.gather [hbm4b:s5+s2], $0x80, v4, vm0, $0xb8;
	[tilespmem:$0x10180] =	vst v63  }
0xc6: {  	s28 =	simm.s32 $0xF980  }
0xc7: {  	[tilespmem:s28], [sflag:$0x2] =	stream.indirect_vreg.gather [hbm4b:s5+s2], $0x80, v3, vm0, $0xb8;
	[tilespmem:$0x10180] =	vst v63  }
0xc8: {  	_ =	swait.ge [sflag:s29], $0x8000  }
0xc9: {  	[sflag:s29] =	ssyncset.done $0x0  }
0xca: {  	[sflag:s29] =	ssyncadd.s32 $0xFFFF8000  }
0xcb: {  	[hbm4b:s6+s30] =	stream.strided.scatter [tilespmem:s10], [sflag:$0x3], $0x8000, s31, s30, $0x38;
	[tilespmem:$0x10180] =	vst v63  }
0xcc: {  	_ =	swait.ge [sflag:s0], $0x8000  }
0xcd: {  	[sflag:s0] =	ssyncset.done $0x0  }
0xce: {  	[sflag:s0] =	ssyncadd.s32 $0xFFFF8000  }
0xcf: {  	v3 =	vld [tilespmem:$0x100];
	_ =	sdelay $0x4  }
0xd0: {  	v56 =	vshll.u32 v3, $0x1  }
0xd1: {  	v3 =	vand.u32 $0x7, v3;
	v4 =	vand.u32 $0xFFFFFFF0, v56  }
0xd2: {  	v3 =	vor.u32 v3, v4  }
0xd3: {  	v4 =	vperm.xlane v3, v0;
	_ =	sdelay $0x1  }
0xd4: {  	v3 =	vperm.xlane v3, v2;
	v4 =	vadd.s32 v1, v4;
	_ =	sdelay $0x1  }
0xd5: {  	v3 =	vadd.s32 v1, v3;
	_ =	sdelay $0x2  }
0xd6: {  	[tilespmem:s10], [sflag:$0x1] =	stream.indirect_vreg.gather [hbm4b:s5+s2], $0x80, v4, vm0, $0xb8;
	[tilespmem:$0x10180] =	vst v63  }
0xd7: {  	_ = 	snop  }
0xd8: {  	[tilespmem:s11], [sflag:$0x1] =	stream.indirect_vreg.gather [hbm4b:s5+s2], $0x80, v3, vm0, $0xb8;
	[tilespmem:$0x10180] =	vst v63  }
0xd9: {  	v3 =	vld [tilespmem:$0x110];
	_ =	sdelay $0x4  }
0xda: {  	v57 =	vshll.u32 v3, $0x1  }
0xdb: {  	v3 =	vand.u32 $0x7, v3;
	v4 =	vand.u32 $0xFFFFFFF0, v57  }
0xdc: {  	v3 =	vor.u32 v3, v4  }
0xdd: {  	v4 =	vperm.xlane v3, v0;
	_ =	sdelay $0x1  }
0xde: {  	v3 =	vperm.xlane v3, v2;
	v4 =	vadd.s32 v1, v4;
	_ =	sdelay $0x1  }
0xdf: {  	v3 =	vadd.s32 v1, v3;
	_ =	sdelay $0x2  }
0xe0: {  	[tilespmem:s12], [sflag:$0x1] =	stream.indirect_vreg.gather [hbm4b:s5+s2], $0x80, v4, vm0, $0xb8;
	[tilespmem:$0x10180] =	vst v63  }
0xe1: {  	_ = 	snop  }
0xe2: {  	[tilespmem:s13], [sflag:$0x1] =	stream.indirect_vreg.gather [hbm4b:s5+s2], $0x80, v3, vm0, $0xb8;
	[tilespmem:$0x10180] =	vst v63  }
0xe3: {  	v3 =	vld [tilespmem:$0x120];
	_ =	sdelay $0x4  }
0xe4: {  	v58 =	vshll.u32 v3, $0x1  }
0xe5: {  	v3 =	vand.u32 $0x7, v3;
	v4 =	vand.u32 $0xFFFFFFF0, v58  }
0xe6: {  	v3 =	vor.u32 v3, v4  }
0xe7: {  	v4 =	vperm.xlane v3, v0;
	_ =	sdelay $0x1  }
0xe8: {  	v3 =	vperm.xlane v3, v2;
	v4 =	vadd.s32 v1, v4;
	_ =	sdelay $0x1  }
0xe9: {  	v3 =	vadd.s32 v1, v3;
	_ =	sdelay $0x2  }
0xea: {  	[tilespmem:s14], [sflag:$0x1] =	stream.indirect_vreg.gather [hbm4b:s5+s2], $0x80, v4, vm0, $0xb8;
	[tilespmem:$0x10180] =	vst v63  }
0xeb: {  	_ = 	snop  }
0xec: {  	[tilespmem:s15], [sflag:$0x1] =	stream.indirect_vreg.gather [hbm4b:s5+s2], $0x80, v3, vm0, $0xb8;
	[tilespmem:$0x10180] =	vst v63  }
0xed: {  	v3 =	vld [tilespmem:$0x130];
	_ =	sdelay $0x4  }
0xee: {  	v59 =	vshll.u32 v3, $0x1  }
0xef: {  	v3 =	vand.u32 $0x7, v3;
	v4 =	vand.u32 $0xFFFFFFF0, v59  }
0xf0: {  	v3 =	vor.u32 v3, v4  }
0xf1: {  	v4 =	vperm.xlane v3, v0;
	_ =	sdelay $0x1  }
0xf2: {  	v3 =	vperm.xlane v3, v2;
	v4 =	vadd.s32 v1, v4;
	_ =	sdelay $0x1  }
0xf3: {  	v3 =	vadd.s32 v1, v3;
	_ =	sdelay $0x2  }
0xf4: {  	[tilespmem:s16], [sflag:$0x1] =	stream.indirect_vreg.gather [hbm4b:s5+s2], $0x80, v4, vm0, $0xb8;
	[tilespmem:$0x10180] =	vst v63  }
0xf5: {  	_ = 	snop  }
0xf6: {  	[tilespmem:s17], [sflag:$0x1] =	stream.indirect_vreg.gather [hbm4b:s5+s2], $0x80, v3, vm0, $0xb8;
	[tilespmem:$0x10180] =	vst v63  }
0xf7: {  	v3 =	vld [tilespmem:$0x140];
	_ =	sdelay $0x4  }
0xf8: {  	v60 =	vshll.u32 v3, $0x1  }
0xf9: {  	v3 =	vand.u32 $0x7, v3;
	v4 =	vand.u32 $0xFFFFFFF0, v60  }
0xfa: {  	v3 =	vor.u32 v3, v4  }
0xfb: {  	v4 =	vperm.xlane v3, v0;
	_ =	sdelay $0x1  }
0xfc: {  	v3 =	vperm.xlane v3, v2;
	v4 =	vadd.s32 v1, v4;
	_ =	sdelay $0x1  }
0xfd: {  	v3 =	vadd.s32 v1, v3;
	_ =	sdelay $0x2  }
0xfe: {  	[tilespmem:s18], [sflag:$0x1] =	stream.indirect_vreg.gather [hbm4b:s5+s2], $0x80, v4, vm0, $0xb8;
	[tilespmem:$0x10180] =	vst v63  }
0xff: {  	_ = 	snop  }
0x100: {  	[tilespmem:s19], [sflag:$0x1] =	stream.indirect_vreg.gather [hbm4b:s5+s2], $0x80, v3, vm0, $0xb8;
	[tilespmem:$0x10180] =	vst v63  }
0x101: {  	v3 =	vld [tilespmem:$0x150];
	_ =	sdelay $0x4  }
0x102: {  	v61 =	vshll.u32 v3, $0x1  }
0x103: {  	v3 =	vand.u32 $0x7, v3;
	v4 =	vand.u32 $0xFFFFFFF0, v61  }
0x104: {  	v3 =	vor.u32 v3, v4  }
0x105: {  	v4 =	vperm.xlane v3, v0;
	_ =	sdelay $0x1  }
0x106: {  	v3 =	vperm.xlane v3, v2;
	v4 =	vadd.s32 v1, v4;
	_ =	sdelay $0x1  }
0x107: {  	v3 =	vadd.s32 v1, v3;
	_ =	sdelay $0x2  }
0x108: {  	[tilespmem:s20], [sflag:$0x1] =	stream.indirect_vreg.gather [hbm4b:s5+s2], $0x80, v4, vm0, $0xb8;
	[tilespmem:$0x10180] =	vst v63  }
0x109: {  	_ = 	snop  }
0x10a: {  	[tilespmem:s21], [sflag:$0x1] =	stream.indirect_vreg.gather [hbm4b:s5+s2], $0x80, v3, vm0, $0xb8;
	[tilespmem:$0x10180] =	vst v63  }
0x10b: {  	v3 =	vld [tilespmem:$0x160];
	_ =	sdelay $0x4  }
0x10c: {  	v62 =	vshll.u32 v3, $0x1  }
0x10d: {  	v3 =	vand.u32 $0x7, v3;
	v4 =	vand.u32 $0xFFFFFFF0, v62  }
0x10e: {  	v3 =	vor.u32 v3, v4  }
0x10f: {  	v4 =	vperm.xlane v3, v0;
	_ =	sdelay $0x1  }
0x110: {  	v3 =	vperm.xlane v3, v2;
	v4 =	vadd.s32 v1, v4;
	_ =	sdelay $0x1  }
0x111: {  	v3 =	vadd.s32 v1, v3;
	_ =	sdelay $0x2  }
0x112: {  	[tilespmem:s22], [sflag:$0x1] =	stream.indirect_vreg.gather [hbm4b:s5+s2], $0x80, v4, vm0, $0xb8;
	[tilespmem:$0x10180] =	vst v63  }
0x113: {  	_ = 	snop  }
0x114: {  	[tilespmem:s23], [sflag:$0x1] =	stream.indirect_vreg.gather [hbm4b:s5+s2], $0x80, v3, vm0, $0xb8;
	[tilespmem:$0x10180] =	vst v63  }
0x115: {  	v3 =	vld [tilespmem:$0x170];
	_ =	sdelay $0x4  }
0x116: {  	v63 =	vshll.u32 v3, $0x1  }
0x117: {  	v3 =	vand.u32 $0x7, v3;
	v4 =	vand.u32 $0xFFFFFFF0, v63  }
0x118: {  	v3 =	vor.u32 v3, v4  }
0x119: {  	v4 =	vperm.xlane v3, v0;
	_ =	sdelay $0x1  }
0x11a: {  	v3 =	vperm.xlane v3, v2;
	v4 =	vadd.s32 v1, v4;
	_ =	sdelay $0x1  }
0x11b: {  	v3 =	vadd.s32 v1, v3;
	_ =	sdelay $0x2  }
0x11c: {  	[tilespmem:s24], [sflag:$0x1] =	stream.indirect_vreg.gather [hbm4b:s5+s2], $0x80, v4, vm0, $0xb8;
	[tilespmem:$0x10180] =	vst v63  }
0x11d: {  	_ = 	snop  }
0x11e: {  	[tilespmem:s25], [sflag:$0x1] =	stream.indirect_vreg.gather [hbm4b:s5+s2], $0x80, v3, vm0, $0xb8;
	[tilespmem:$0x10180] =	vst v63  }
0x11f: {  	_ =	swait.ge [sflag:s1], $0x8000  }
0x120: {  	[sflag:s1] =	ssyncset.done $0x0  }
0x121: {  	[sflag:s1] =	ssyncadd.s32 $0xFFFF8000  }
0x122: {  	[hbm4b:s7+s30] =	stream.strided.scatter [tilespmem:s26], [sflag:$0x4], $0x8000, s31, s30, $0x38;
	[tilespmem:$0x10180] =	vst v63  }
0x123: {  	_ =	swait.ge [sflag:s29], $0x8000  }
0x124: {  	[sflag:s29] =	ssyncset.done $0x0  }
0x125: {  	s9 =	sadd.s32 $0xFFFFFFFF, s9;
	[sflag:s29] =	ssyncadd.s32 $0xFFFF8000  }
0x126: {  	[hbm4b:s8+s30] =	stream.strided.scatter [tilespmem:s10], [sflag:$0x3], $0x8000, s31, s30, $0x38;
	[tilespmem:$0x10180] =	vst v63  }
0x127: {  	p2 =	sne.s32 s9, $0x0;
	_ =	swait.ge [sflag:s4], $0x8000  }
.Ltmp0:
0x128: {  	[sflag:s4] =	ssyncset.done $0x0;
	(pc) =	sbr.rel @p2 .LBB2_1-.Ltmp0, $4  }
0x129: {  	[sflag:s4] =	ssyncadd.s32 $0xFFFF8000  }
0x12a: {  	_ =	swait.ge [sflag:s0], $0x8000  }
0x12b: {  	[sflag:s0] =	ssyncset.done $0x0  }
0x12c: {  	[sflag:s0] =	ssyncadd.s32 $0xFFFF8000  }
0x12d: {  	_ =	sfence.sel $0x180000  }
0x12e: {  	[bflag:$0x0] =	sbarrier.arrive $0xFFFF  }
0x12f: {  	_ =	strace $0x90000047  }
0x130: {  	s0 =	stileid.u32;
	[bflag:$0x2] =	sbarrier.arrive $0xFFFF  }
0x131: {  	p0 =	sne.s32 s0, $0x0;
	s0 =	rddreg [dreg:$0x3]  }
0x132: {  	s0 =	sadd.s32 @!p0 $0x100000, s0  }
0x133: {  	[sflag:s0] =	ssyncadd.tile.s32 @!p0 $0x1;
	_ =	shalt  }
.Lfunc_end2:
_tile_overlayer_lowered:
.L_overlay_start_2:
0x134: {  	(tag) =	ssettag $0x2  }
0x135: {  	s0 =	rddreg [dreg:$0x0];
	s2 =	stileid.u32  }
0x136: {  	s1 =	rddreg [dreg:$0x1];
	p0 =	sne.s32 s2, $0x0  }
0x137: {  	s3 =	rddreg [dreg:$0x2];
	[bflag:$0x3] =	sbarrier.arrive $0xFFFF;
	s2 =	simm.s32 @!p0 $0x1C05  }
0x138: {  	[timem:s3], [sflag:s2] =	dma.local @!p0 [hbm:s0], s1  }
0x139: {  	s0 =	simm.s32 @!p0 $0x5  }
0x13a: {  	_ =	swait.ge @!p0 [sflag:s0], s1  }
0x13b: {  	s1 =	ssub.s32 @!p0 $0x0, s1;
	[sflag:s0] =	ssyncset.done @!p0 $0x0  }
0x13c: {  	[sflag:s0] =	ssyncadd.s32 @!p0 s1  }
0x13d: {  	[bflag:$0x3] =	sbarrier.arrive $0xFFFF  }
0x13e: {  	_ =	shalt  }

// kernel: kernel.9.cloned.1.call-start
scs
__scs_entry_jumppad:
0x0: {  	(pc) =	sbr.rel $0x88, $3  }
0x1: {  	(tag) =	ssettag $0x0;
	lr =	simm.s32 $0x1  }
0x2: {  	[smem:$0x3F9C] =	sst lr;
	_ =	strace $0xD0000000  }
0x3: {  	_ = 	snop  }
0x4: {  	_ = 	snop  }
0x5: {  	_ = 	snop  }
0x6: {  	_ = 	snop  }
0x7: {  	_ = 	snop  }
__scs_overlays_trampoline_lowered:
0x8: {  	[smem:$0x3FAB] =	sst s0  }
0x9: {  	[smem:$0x3FAC] =	sst s1  }
0xa: {  	[smem:$0x3FAD] =	sst s2  }
0xb: {  	[smem:$0x3FAE] =	sst s3  }
0xc: {  	[smem:$0x3FAF] =	sst s4  }
0xd: {  	[smem:$0x3FB0] =	sst s5  }
0xe: {  	[smem:$0x3FB1] =	sst s6  }
0xf: {  	[smem:$0x3FB2] =	sst s7  }
0x10: {  	[smem:$0x3FB3] =	sst s8  }
0x11: {  	[smem:$0x3FB4] =	sst s9;
	s0 =	simm.s32 @!p0 $0x0  }
0x12: {  	s1 =	sld [smem:$0x3F9A];
	s0 =	simm.s32 @p0 $0x1  }
0x13: {  	[smem:$0x3FB5] =	sst s0;
	s0 =	simm.s32 @!p1 $0x0  }
0x14: {  	s2 =	sld [smem:$0x3F99];
	s0 =	simm.s32 @p1 $0x1  }
0x15: {  	[smem:$0x3FB6] =	sst s0;
	s0 =	simm.s32 @!p2 $0x0  }
0x16: {  	s3 =	sld [smem:$0x3FDB];
	s0 =	simm.s32 @p2 $0x1  }
0x17: {  	s4 =	simm.s32 $0x1BF5;
	[smem:$0x3FB8] =	sst s0  }
0x18: {  	s0 =	sld [smem:$0x3F9B];
	_ =	swait.ge [sflag:s4], $0x0  }
0x19: {  	s7 =	sld [smem:$0x3F9C]  }
0x1a: {  	s8 =	sadd.s32 $0xFFFFE003, lr  }
0x1b: {  	s9 =	sadd.s32 $0xFFFFFEF7, lr;
	s5 =	simm.s32 $0xFFFFFFFF;
	p2 =	slt.u32 s8, $0xFFFFF086  }
0x1c: {  	p1 =	slt.u32 s9, $0xF7A;
	s5 =	simm.s32 @!p2 $0x0  }
0x1d: {  	s5 =	simm.s32 @p1 $0x1;
	p0 =	seq.s32 s7, s2  }
0x1e: {  	s7 =	smul.u32 @!p0 $0xF7A, s2;
	p2 =	seq.s32 @!p0 s5, $0x0  }
0x1f: {  	s9 =	smul.u32 $0xF7A, s1;
	s8 =	simm.s32 @!p0 $0x1BF5;
	p2 =	por !p2, p0  }
0x20: {  	[sflag:s8] =	ssyncset.s32 @!p0 $0xFFFFF086;
	s6 =	sadd.s32 @!p0 s3, s7;
	s7 =	simm.s32 @!p0 $0x108  }
0x21: {  	s3 =	sadd.s32 s3, s9;
	s6 =	sadd.s32 @!p0 $0x88, s6;
	s7 =	simm.s32 @p2 $0x1082  }
0x22: {  	[simem:s7], [sflag:s8] =	dma.local @!p0 [hbm:s6], $0xF7A  }
0x23: {  	s9 =	sor.u32 $0xD0000000, s2;
	s6 =	simm.s32 $0x108;
	_ =	swait.ge @!p0 [sflag:s8], $0x0  }
0x24: {  	s3 =	sadd.s32 $0x88, s3;
	s6 =	simm.s32 @!p1 $0x1082;
	[sflag:s4] =	ssyncset.s32 $0xFFFFF086  }
0x25: {  	[simem:s6], [sflag:s4] =	dma.local [hbm:s3], $0xF7A  }
0x26: {  	[smem:$0x3F9C] =	sst s1;
	(tag) =	ssettag s2;
	_ =	strace s9  }
0x27: {  	s1 =	sld [smem:$0x3FAC]  }
0x28: {  	s2 =	sld [smem:$0x3FAD]  }
0x29: {  	s4 =	sld [smem:$0x3FAF]  }
0x2a: {  	p0 =	seq.s32 s5, $0x0;
	s5 =	sld [smem:$0x3FB0]  }
0x2b: {  	s6 =	sld [smem:$0x3FB1]  }
0x2c: {  	s7 =	sld [smem:$0x3FB2]  }
0x2d: {  	s3 =	simm.s32 $0x108;
	s8 =	sld [smem:$0x3FB3]  }
0x2e: {  	s3 =	simm.s32 @!p0 $0x1082;
	s9 =	sld [smem:$0x3FB4]  }
0x2f: {  	lr =	sadd.s32 s0, s3;
	s0 =	sld [smem:$0x3FAB]  }
0x30: {  	s3 =	sld [smem:$0x3FAE]  }
0x31: {  	[smem:$0x3FB7] =	sst s10  }
0x32: {  	s10 =	sld [smem:$0x3FB5];
	_ =	sdelay $0x3  }
0x33: {  	p0 =	seq.s32 s10, $0x1;
	s10 =	sld [smem:$0x3FB7];
	_ =	sdelay $0x3  }
0x34: {  	[smem:$0x3FB7] =	sst s10  }
0x35: {  	s10 =	sld [smem:$0x3FB6];
	_ =	sdelay $0x3  }
0x36: {  	p1 =	seq.s32 s10, $0x1;
	s10 =	sld [smem:$0x3FB7];
	_ =	sdelay $0x3  }
0x37: {  	[smem:$0x3FB7] =	sst s10  }
0x38: {  	s10 =	sld [smem:$0x3FB8]  }
0x39: {  	_ = 	snop;
	(pc) =	sbr.ind lr, $3  }
0x3a: {  	_ = 	snop  }
0x3b: {  	_ = 	snop  }
0x3c: {  	p2 =	seq.s32 s10, $0x1;
	s10 =	sld [smem:$0x3FB7]  }
0x3d: {  	_ =	shalt  }
0x3e: {  	_ =	shalt  }
0x3f: {  	_ =	shalt  }
0x40: {  	_ =	shalt  }
0x41: {  	_ =	shalt  }
0x42: {  	_ =	shalt  }
0x43: {  	_ =	shalt  }
0x44: {  	_ =	shalt  }
0x45: {  	_ =	shalt  }
0x46: {  	_ =	shalt  }
0x47: {  	_ =	shalt  }
0x48: {  	_ =	shalt  }
0x49: {  	_ =	shalt  }
0x4a: {  	_ =	shalt  }
0x4b: {  	_ =	shalt  }
0x4c: {  	_ =	shalt  }
0x4d: {  	_ =	shalt  }
0x4e: {  	_ =	shalt  }
0x4f: {  	_ =	shalt  }
0x50: {  	_ =	shalt  }
0x51: {  	_ =	shalt  }
0x52: {  	_ =	shalt  }
0x53: {  	_ =	shalt  }
0x54: {  	_ =	shalt  }
0x55: {  	_ =	shalt  }
0x56: {  	_ =	shalt  }
0x57: {  	_ =	shalt  }
0x58: {  	_ =	shalt  }
0x59: {  	_ =	shalt  }
0x5a: {  	_ =	shalt  }
0x5b: {  	_ =	shalt  }
0x5c: {  	_ =	shalt  }
0x5d: {  	_ =	shalt  }
0x5e: {  	_ =	shalt  }
0x5f: {  	_ =	shalt  }
0x60: {  	_ =	shalt  }
0x61: {  	_ =	shalt  }
0x62: {  	_ =	shalt  }
0x63: {  	_ =	shalt  }
0x64: {  	_ =	shalt  }
0x65: {  	_ =	shalt  }
0x66: {  	_ =	shalt  }
0x67: {  	_ =	shalt  }
0x68: {  	_ =	shalt  }
0x69: {  	_ =	shalt  }
0x6a: {  	_ =	shalt  }
0x6b: {  	_ =	shalt  }
0x6c: {  	_ =	shalt  }
0x6d: {  	_ =	shalt  }
0x6e: {  	_ =	shalt  }
0x6f: {  	_ =	shalt  }
0x70: {  	_ =	shalt  }
0x71: {  	_ =	shalt  }
0x72: {  	_ =	shalt  }
0x73: {  	_ =	shalt  }
0x74: {  	_ =	shalt  }
0x75: {  	_ =	shalt  }
0x76: {  	_ =	shalt  }
0x77: {  	_ =	shalt  }
0x78: {  	_ =	shalt  }
0x79: {  	_ =	shalt  }
0x7a: {  	_ =	shalt  }
0x7b: {  	_ =	shalt  }
0x7c: {  	_ =	shalt  }
0x7d: {  	_ =	shalt  }
0x7e: {  	_ =	shalt  }
0x7f: {  	_ =	shalt  }
0x80: {  	_ =	shalt  }
0x81: {  	_ =	shalt  }
0x82: {  	_ =	shalt  }
0x83: {  	_ =	shalt  }
0x84: {  	_ =	shalt  }
0x85: {  	_ =	shalt  }
0x86: {  	_ =	shalt  }
0x87: {  	_ =	shalt  }
.Lfunc_end0:
.L_simem_size_0:
called_computation.1_lowered:
.L_overlay_start_0:
0x88: {  	s2 =	sld [smem:$0x3FD9]  }
0x89: {  	s3 =	sld [smem:$0x3FFE];
	_ =	sdelay $0x1  }
0x8a: {  	s1 =	srdreg.scid  }
0x8b: {  	s0 =	sand.u32 $0x1, s1  }
0x8c: {  	s14 =	sshll.u32 s0, $0xA;
	s2 =	sadd.s32 s3, s2  }
0x8d: {  	s2 =	sadd.s32 s2, s14  }
0x8e: {  	[smem:$0x3FC3] =	sst s2  }
0x8f: {  	_ = 	snop  }
0x90: {  	s2 =	sld [smem:$0x3FD0];
	_ =	sdelay $0x2  }
0x91: {  	s4 =	simm.s32 $0xA;
	s5 =	simm.s32 $0x10;
	s15 =	sld [smem:$0x3FC6]  }
0x92: {  	[smem:s5], [sflag:s4] =	dma.local [hbm:s2], $0x1  }
0x93: {  	_ =	swait.eq [sflag:s4], $0x1  }
0x94: {  	[sflag:s4] =	ssyncset.done $0x0  }
0x95: {  	[sflag:s4] =	ssyncadd.s32 $0xFFFFFFFF  }
0x96: {  	s16 =	sld [smem:$0x10];
	(tm) =	ssettm $0x1  }
0x97: {  	s17 =	sld [smem:$0x3FFB];
	_ =	sdelay $0x3  }
0x98: {  	_ =	strace s17  }
0x99: {  	s4 =	sld [smem:$0x3FFC];
	_ =	sdelay $0x3  }
0x9a: {  	_ =	strace s4  }
0x9b: {  	s4 =	sld [smem:$0x3FFD];
	_ =	sdelay $0x3  }
0x9c: {  	_ =	strace s4  }
0x9d: {  	_ =	strace $0x8FFFFFFF  }
0x9e: {  	s18 =	sld [smem:$0x3FDB];
	_ =	sdelay $0x1  }
0x9f: {  	s19 =	simm.s32 $_scs_section_size  }
0xa0: {  	s6 =	simm.s32 $_size__tile_overlayer_lowered;
	s7 =	simm.s32 $_tile_overlayer_lowered  }
0xa1: {  	s22 =	simm.s32 $0x1BFF;
	s21 =	sshll.u32 s7, $0x1;
	s4 =	sadd.s32 s19, s18  }
0xa2: {  	s8 =	simm.s32 $0x0;
	s20 =	sshll.u32 s6, $0x1;
	s6 =	sadd.s32 s21, s4  }
0xa3: {  	[timem:s8], [sflag:s22] =	dma.local [hbm:s6], s20  }
0xa4: {  	_ =	swait.ge [sflag:s22], s20  }
0xa5: {  	s5 =	ssub.s32 $0x0, s20;
	[sflag:s22] =	ssyncset.done $0x0  }
0xa6: {  	[sflag:s22] =	ssyncadd.s32 s5;
	_ =	sdelay $0x1  }
0xa7: {  	s23 =	simm.s32 $0x1B8B  }
0xa8: {  	_ =	swait.ge [sflag:s23], $0x1  }
0xa9: {  	[sflag:s23] =	ssyncset.done $0x0  }
0xaa: {  	s25 =	simm.s32 $0x1B8E;
	s24 =	sld [smem:$0x3FFE];
	[sflag:s23] =	ssyncadd.s32 $0xFFFFFFFF  }
0xab: {  	s26 =	simm.s32 $execute0_lowered;
	[smem:$0x3FD2] =	sst s25  }
0xac: {  	s6 =	sshll.u32 s26, $0x1;
	_ =	strace $0x80000049;
	[dreg:$0x1] =	wrdreg $0xFFFFFFFF  }
0xad: {  	s28 =	simm.s32 $_size_execute0_lowered;
	s4 =	sadd.s32 s4, s6;
	[dreg:$0x0] =	wrdreg $0x0  }
0xae: {  	s6 =	sshll.u32 s28, $0x1;
	[dreg:$0x2] =	wrdreg s4  }
0xaf: {  	[dreg:$0x3] =	wrdreg s6  }
0xb0: {  	[dreg:$0x4] =	wrdreg $0xC0  }
0xb1: {  	_ =	task [dreg:s8], $0x5FFFF  }
0xb2: {  	[dreg:$0x1] =	wrdreg $0xFFFFFFFF  }
0xb3: {  	[dreg:$0x0] =	wrdreg $0x60  }
0xb4: {  	[dreg:$0x2] =	wrdreg s15  }
0xb5: {  	[dreg:$0x3] =	wrdreg s24  }
0xb6: {  	[dreg:$0x4] =	wrdreg s16  }
0xb7: {  	[dreg:$0x5] =	wrdreg $0x9  }
0xb8: {  	_ =	task.clear_ibuf [dreg:s8], $0x6FFFF;
	_ =	strace $0x90000049  }
0xb9: {  	s29 =	simm.s32 $0x9;
	_ =	strace $0x8000004B  }
0xba: {  	_ =	swait.ge [sflag:s29], $0x1  }
0xbb: {  	[sflag:s29] =	ssyncadd.s32 $0xFFFFFFFF  }
0xbc: {  	_ =	strace $0x9000004B  }
0xbd: {  	_ =	sfence  }
0xbe: {  	s30 =	sld [smem:$0x0];
	_ =	sdelay $0x2  }
0xbf: {  	s31 =	sshll.u32 s1, $0xD;
	s1 =	sshrl.u32 s1, $0x2  }
0xc0: {  	s3 =	sand.u32 $0x4000, s31;
	s1 =	sadd.s32 s1, s30  }
0xc1: {  	s0 =	sor.u32 s3, s0;
	s1 =	sshll.u32 s1, $0x11  }
0xc2: {  	s0 =	sor.u32 s1, s0  }
0xc3: {  	s0 =	sadd.s32 $0x8F2B, s0  }
0xc4: {  	[sflag:s0] =	ssyncadd.remote.s32 $0x1  }
0xc5: {  	_ =	sfence.sel $0xFFFF  }
0xc6: {  	[dreg:$0x0] =	wrdreg $0xFFFFFFFF;
	(pc) =	sbr.abs _section_cstart, $3  }
0xc7: {  	[dreg:$0x1] =	wrdreg $0xFFFFFFFF  }
0xc8: {  	_ =	task.clear_ibuf [dreg:s8], $0x2FFFF;
	_ =	strace $0x9FFFFFFF  }
0xc9: {  	(tm) =	ssettm $0x7FFFFFFF  }
tec
execute0_lowered:
.L_overlay_start_1:
0x0: {  	(tag) =	ssettag $0x1  }
0x1: {  	s5 =	rddreg [dreg:$0x0]  }
0x2: {  	s3 =	rddreg [dreg:$0x1]  }
0x3: {  	s6 =	rddreg [dreg:$0x2];
	s1 =	srdreg.scid  }
0x4: {  	s0 =	rddreg [dreg:$0x3];
	s2 =	simm.s32 $0x0;
	s13 =	simm.s32 $0x2880  }
0x5: {  	s14 =	simm.s32 $0x3080;
	s15 =	simm.s32 $0x3880;
	s16 =	simm.s32 $0x4080  }
0x6: {  	s17 =	simm.s32 $0x4880;
	s18 =	simm.s32 $0x5080;
	s19 =	simm.s32 $0x5880  }
0x7: {  	s20 =	simm.s32 $0x6080;
	s21 =	simm.s32 $0x6880;
	s22 =	simm.s32 $0x7080  }
0x8: {  	s23 =	simm.s32 $0x7880;
	s24 =	simm.s32 $0x1;
	s25 =	simm.s32 $0x800  }
0x9: {  	s26 =	simm.s32 $0x1000;
	s28 =	simm.s32 $0x2;
	s29 =	simm.s32 $0x3  }
0xa: {  	s7 =	sand.u32 $0x1, s1;
	[smem:$0x7FF] =	sst s2;
	s1 =	stileid.u32  }
0xb: {  	s4 =	ssub.s32 $0x2, s7;
	_ =	strace $0x8000004A;
	s8 =	sshll.u32 s1, $0x4  }
0xc: {  	s10 =	sshll.u32 s1, $0xD;
	p0 =	seq.s32 s7, $0x1;
	s11 =	smul.u32 $0x2800, s7  }
0xd: {  	s12 =	sshll.u32 s7, $0x8;
	s9 =	sshrl.u32 s4, $0x1;
	s8 =	sadd.s32 s8, s3  }
0xe: {  	s6 =	sadd.s32 s12, s6;
	p1 =	seq.s32 @!p0 s7, $0x0;
	s12 =	simm.s32 $0x2080  }
0xf: {  	s9 =	ssub.s32 s4, s9;
	s3 =	sadd.s32 $0x2000, s8;
	s4 =	sadd.s32 $0x2200, s8  }
0x10: {  	v2 =	vlaneseq.u32;
	s5 =	sadd.s32 s5, s11;
	s6 =	sadd.s32 s10, s6;
	p1 =	por p0, !p1  }
0x11: {  	vm0 =	vmmov $0xffff;
	v1 =	vshrl.u32 v2, $0x3;
	s8 =	simm.s32 $0x80;
	s10 =	simm.s32 $0x1080;
	s11 =	simm.s32 $0x1880  }
0x12: {  	v0 =	vand.u32 $0x7, v2;
	v2 =	vor.u32 $0x8, v2;
	v1 =	vmul.u32 $0x8, v1;
	s6 =	sadd.s32 $0x60000, s6;
	s7 =	smax.u32 s9, $0x1;
	s9 =	simm.s32 $0x880  }
.LBB2_1:
0x13: {  	s30 =	simm.s32 @!p0 $0x0  }
0x14: {  	[tilespmem:s30], [sflag:$0x3] =	stream.linear.gather @!p0 [hbm4b:s3+s30], $0x80, $0x38;
	[tilespmem:$0x8080] =	vst v63  }
0x15: {  	s30 =	simm.s32 @!p0 $0x3  }
0x16: {  	_ =	swait.ge @!p0 [sflag:s30], $0x80  }
0x17: {  	[sflag:s30] =	ssyncset.done @!p0 $0x0  }
0x18: {  	[sflag:s30] =	ssyncadd.s32 @!p0 $0xFFFFFF80  }
0x19: {  	[tilespmem:s2], [sflag:$0x3] =	stream.linear.gather @p1 [hbm4b:s4+s2], $0x80, $0x38;
	[tilespmem:$0x8080] =	vst v63  }
0x1a: {  	_ =	swait.ge @p1 [sflag:s29], $0x80  }
0x1b: {  	[sflag:s29] =	ssyncset.done @p1 $0x0  }
0x1c: {  	[sflag:s29] =	ssyncadd.s32 @p1 $0xFFFFFF80  }
0x1d: {  	v3 =	vld [tilespmem:$0x0];
	_ =	sdelay $0x4  }
0x1e: {  	v4 =	vshll.u32 v3, $0x1  }
0x1f: {  	v3 =	vand.u32 $0x7, v3;
	v4 =	vand.u32 $0xFFFFFFF0, v4  }
0x20: {  	v3 =	vor.u32 v3, v4  }
0x21: {  	v4 =	vperm.xlane v3, v0;
	_ =	sdelay $0x1  }
0x22: {  	v3 =	vperm.xlane v3, v2;
	v4 =	vadd.s32 v1, v4;
	_ =	sdelay $0x1  }
0x23: {  	v3 =	vadd.s32 v1, v3;
	_ =	sdelay $0x2  }
0x24: {  	[tilespmem:s8], [sflag:$0x1] =	stream.indirect_vreg.gather [hbm4b:s5+s2], $0x80, v4, vm0, $0xb8;
	[tilespmem:$0x8080] =	vst v63  }
0x25: {  	_ = 	snop  }
0x26: {  	[tilespmem:s9], [sflag:$0x1] =	stream.indirect_vreg.gather [hbm4b:s5+s2], $0x80, v3, vm0, $0xb8;
	[tilespmem:$0x8080] =	vst v63  }
0x27: {  	v3 =	vld [tilespmem:$0x10];
	_ =	sdelay $0x4  }
0x28: {  	v57 =	vshll.u32 v3, $0x1  }
0x29: {  	v3 =	vand.u32 $0x7, v3;
	v4 =	vand.u32 $0xFFFFFFF0, v57  }
0x2a: {  	v3 =	vor.u32 v3, v4  }
0x2b: {  	v4 =	vperm.xlane v3, v0;
	_ =	sdelay $0x1  }
0x2c: {  	v3 =	vperm.xlane v3, v2;
	v4 =	vadd.s32 v1, v4;
	_ =	sdelay $0x1  }
0x2d: {  	v3 =	vadd.s32 v1, v3;
	_ =	sdelay $0x2  }
0x2e: {  	[tilespmem:s10], [sflag:$0x1] =	stream.indirect_vreg.gather [hbm4b:s5+s2], $0x80, v4, vm0, $0xb8;
	[tilespmem:$0x8080] =	vst v63  }
0x2f: {  	_ = 	snop  }
0x30: {  	[tilespmem:s11], [sflag:$0x1] =	stream.indirect_vreg.gather [hbm4b:s5+s2], $0x80, v3, vm0, $0xb8;
	[tilespmem:$0x8080] =	vst v63  }
0x31: {  	v3 =	vld [tilespmem:$0x20];
	_ =	sdelay $0x4  }
0x32: {  	v58 =	vshll.u32 v3, $0x1  }
0x33: {  	v3 =	vand.u32 $0x7, v3;
	v4 =	vand.u32 $0xFFFFFFF0, v58  }
0x34: {  	v3 =	vor.u32 v3, v4  }
0x35: {  	v4 =	vperm.xlane v3, v0;
	_ =	sdelay $0x1  }
0x36: {  	v3 =	vperm.xlane v3, v2;
	v4 =	vadd.s32 v1, v4;
	_ =	sdelay $0x1  }
0x37: {  	v3 =	vadd.s32 v1, v3;
	_ =	sdelay $0x2  }
0x38: {  	[tilespmem:s12], [sflag:$0x1] =	stream.indirect_vreg.gather [hbm4b:s5+s2], $0x80, v4, vm0, $0xb8;
	[tilespmem:$0x8080] =	vst v63  }
0x39: {  	_ = 	snop  }
0x3a: {  	[tilespmem:s13], [sflag:$0x1] =	stream.indirect_vreg.gather [hbm4b:s5+s2], $0x80, v3, vm0, $0xb8;
	[tilespmem:$0x8080] =	vst v63  }
0x3b: {  	v3 =	vld [tilespmem:$0x30];
	_ =	sdelay $0x4  }
0x3c: {  	v59 =	vshll.u32 v3, $0x1  }
0x3d: {  	v3 =	vand.u32 $0x7, v3;
	v4 =	vand.u32 $0xFFFFFFF0, v59  }
0x3e: {  	v3 =	vor.u32 v3, v4  }
0x3f: {  	v4 =	vperm.xlane v3, v0;
	_ =	sdelay $0x1  }
0x40: {  	v3 =	vperm.xlane v3, v2;
	v4 =	vadd.s32 v1, v4;
	_ =	sdelay $0x1  }
0x41: {  	v3 =	vadd.s32 v1, v3;
	_ =	sdelay $0x2  }
0x42: {  	[tilespmem:s14], [sflag:$0x1] =	stream.indirect_vreg.gather [hbm4b:s5+s2], $0x80, v4, vm0, $0xb8;
	[tilespmem:$0x8080] =	vst v63  }
0x43: {  	_ = 	snop  }
0x44: {  	[tilespmem:s15], [sflag:$0x1] =	stream.indirect_vreg.gather [hbm4b:s5+s2], $0x80, v3, vm0, $0xb8;
	[tilespmem:$0x8080] =	vst v63  }
0x45: {  	v3 =	vld [tilespmem:$0x40];
	_ =	sdelay $0x4  }
0x46: {  	v60 =	vshll.u32 v3, $0x1  }
0x47: {  	v3 =	vand.u32 $0x7, v3;
	v4 =	vand.u32 $0xFFFFFFF0, v60  }
0x48: {  	v3 =	vor.u32 v3, v4  }
0x49: {  	v4 =	vperm.xlane v3, v0;
	_ =	sdelay $0x1  }
0x4a: {  	v3 =	vperm.xlane v3, v2;
	v4 =	vadd.s32 v1, v4;
	_ =	sdelay $0x1  }
0x4b: {  	v3 =	vadd.s32 v1, v3;
	_ =	sdelay $0x2  }
0x4c: {  	[tilespmem:s16], [sflag:$0x1] =	stream.indirect_vreg.gather [hbm4b:s5+s2], $0x80, v4, vm0, $0xb8;
	[tilespmem:$0x8080] =	vst v63  }
0x4d: {  	_ = 	snop  }
0x4e: {  	[tilespmem:s17], [sflag:$0x1] =	stream.indirect_vreg.gather [hbm4b:s5+s2], $0x80, v3, vm0, $0xb8;
	[tilespmem:$0x8080] =	vst v63  }
0x4f: {  	v3 =	vld [tilespmem:$0x50];
	_ =	sdelay $0x4  }
0x50: {  	v61 =	vshll.u32 v3, $0x1  }
0x51: {  	v3 =	vand.u32 $0x7, v3;
	v4 =	vand.u32 $0xFFFFFFF0, v61  }
0x52: {  	v3 =	vor.u32 v3, v4  }
0x53: {  	v4 =	vperm.xlane v3, v0;
	_ =	sdelay $0x1  }
0x54: {  	v3 =	vperm.xlane v3, v2;
	v4 =	vadd.s32 v1, v4;
	_ =	sdelay $0x1  }
0x55: {  	v3 =	vadd.s32 v1, v3;
	_ =	sdelay $0x2  }
0x56: {  	[tilespmem:s18], [sflag:$0x1] =	stream.indirect_vreg.gather [hbm4b:s5+s2], $0x80, v4, vm0, $0xb8;
	[tilespmem:$0x8080] =	vst v63  }
0x57: {  	_ = 	snop  }
0x58: {  	[tilespmem:s19], [sflag:$0x1] =	stream.indirect_vreg.gather [hbm4b:s5+s2], $0x80, v3, vm0, $0xb8;
	[tilespmem:$0x8080] =	vst v63  }
0x59: {  	v3 =	vld [tilespmem:$0x60];
	_ =	sdelay $0x4  }
0x5a: {  	v62 =	vshll.u32 v3, $0x1  }
0x5b: {  	v3 =	vand.u32 $0x7, v3;
	v4 =	vand.u32 $0xFFFFFFF0, v62  }
0x5c: {  	v3 =	vor.u32 v3, v4  }
0x5d: {  	v4 =	vperm.xlane v3, v0;
	_ =	sdelay $0x1  }
0x5e: {  	v3 =	vperm.xlane v3, v2;
	v4 =	vadd.s32 v1, v4;
	_ =	sdelay $0x1  }
0x5f: {  	v3 =	vadd.s32 v1, v3;
	_ =	sdelay $0x2  }
0x60: {  	[tilespmem:s20], [sflag:$0x1] =	stream.indirect_vreg.gather [hbm4b:s5+s2], $0x80, v4, vm0, $0xb8;
	[tilespmem:$0x8080] =	vst v63  }
0x61: {  	_ = 	snop  }
0x62: {  	[tilespmem:s21], [sflag:$0x1] =	stream.indirect_vreg.gather [hbm4b:s5+s2], $0x80, v3, vm0, $0xb8;
	[tilespmem:$0x8080] =	vst v63  }
0x63: {  	v3 =	vld [tilespmem:$0x70];
	_ =	sdelay $0x4  }
0x64: {  	v63 =	vshll.u32 v3, $0x1  }
0x65: {  	v3 =	vand.u32 $0x7, v3;
	v4 =	vand.u32 $0xFFFFFFF0, v63  }
0x66: {  	v3 =	vor.u32 v3, v4  }
0x67: {  	v4 =	vperm.xlane v3, v0;
	_ =	sdelay $0x1  }
0x68: {  	v3 =	vperm.xlane v3, v2;
	v4 =	vadd.s32 v1, v4;
	_ =	sdelay $0x1  }
0x69: {  	v3 =	vadd.s32 v1, v3;
	_ =	sdelay $0x2  }
0x6a: {  	[tilespmem:s22], [sflag:$0x1] =	stream.indirect_vreg.gather [hbm4b:s5+s2], $0x80, v4, vm0, $0xb8;
	[tilespmem:$0x8080] =	vst v63  }
0x6b: {  	_ = 	snop  }
0x6c: {  	[tilespmem:s23], [sflag:$0x1] =	stream.indirect_vreg.gather [hbm4b:s5+s2], $0x80, v3, vm0, $0xb8;
	[tilespmem:$0x8080] =	vst v63  }
0x6d: {  	s7 =	sadd.s32 $0xFFFFFFFF, s7;
	_ =	swait.ge [sflag:s24], $0x8000  }
0x6e: {  	p2 =	sne.s32 s7, $0x0;
	[sflag:s24] =	ssyncset.done $0x0  }
.Ltmp0:
0x6f: {  	[sflag:s24] =	ssyncadd.s32 $0xFFFF8000;
	(pc) =	sbr.rel @p2 .LBB2_1-.Ltmp0, $4  }
0x70: {  	[hbm4b:s6+s25] =	stream.strided.scatter [tilespmem:s8], [sflag:$0x2], $0x8000, s26, s25, $0x38;
	[tilespmem:$0x8080] =	vst v63  }
0x71: {  	_ =	swait.ge [sflag:s28], $0x8000  }
0x72: {  	[sflag:s28] =	ssyncset.done $0x0  }
0x73: {  	[sflag:s28] =	ssyncadd.s32 $0xFFFF8000  }
0x74: {  	_ =	sfence.sel $0x180000  }
0x75: {  	[bflag:$0x0] =	sbarrier.arrive $0xFFFF  }
0x76: {  	p0 =	sne.s32 s1, $0x0;
	_ =	strace $0x9000004A  }
0x77: {  	s0 =	sadd.s32 @!p0 $0x100000, s0;
	[bflag:$0x2] =	sbarrier.arrive $0xFFFF  }
0x78: {  	[sflag:s0] =	ssyncadd.tile.s32 @!p0 $0x1;
	_ =	shalt  }
.Lfunc_end2:
_tile_overlayer_lowered:
.L_overlay_start_2:
0x79: {  	(tag) =	ssettag $0x2  }
0x7a: {  	s0 =	rddreg [dreg:$0x0];
	s2 =	stileid.u32  }
0x7b: {  	s1 =	rddreg [dreg:$0x1];
	p0 =	sne.s32 s2, $0x0  }
0x7c: {  	s3 =	rddreg [dreg:$0x2];
	[bflag:$0x3] =	sbarrier.arrive $0xFFFF;
	s2 =	simm.s32 @!p0 $0x1C03  }
0x7d: {  	[timem:s3], [sflag:s2] =	dma.local @!p0 [hbm:s0], s1  }
0x7e: {  	s0 =	simm.s32 @!p0 $0x3  }
0x7f: {  	_ =	swait.ge @!p0 [sflag:s0], s1  }
0x80: {  	s1 =	ssub.s32 @!p0 $0x0, s1;
	[sflag:s0] =	ssyncset.done @!p0 $0x0  }
0x81: {  	[sflag:s0] =	ssyncadd.s32 @!p0 s1  }
0x82: {  	[bflag:$0x3] =	sbarrier.arrive $0xFFFF  }
0x83: {  	_ =	shalt  }

</sc_bundles>
